<compile_context>
chip_gen: v7x
topology: tpu7x:2x2x1
jax: 0.10.2.dev20260603
libtpu: 0.0.44.dev20260713+nightly
codegen_flags: <defaults>
</compile_context>

<pallas_src>
import jax
import jax.numpy as jnp
from jax import lax
from jax.experimental import pallas as pl
from jax.experimental.pallas import tpu as pltpu
from jax.experimental.pallas import tpu_sc as plsc

_NEG_INF = float("-inf")


def _round_robin_2d(x):
    n, m = x.shape
    num_tiles = 16
    apt = n // num_tiles
    ngroups = m // 16
    nsuper = ngroups // 16

    mesh = plsc.VectorSubcoreMesh(
        core_axis_name="c", subcore_axis_name="s", num_cores=1
    )

    def body(x_hbm, out_hbm, x_loc, pi_loc, taken, pos, g1val, g1idx, g2val,
             cand_loc, rbuf, cand_slab):
        wid = lax.axis_index("s")
        base = wid * apt
        lane16 = lax.iota(jnp.int32, 16)
        lane0 = lane16 == 0

        def st1(ref, idxs, val):
            plsc.store_scatter(
                ref,
                [jnp.full((16,), i, jnp.int32) for i in idxs],
                jnp.full((16,), val, ref.dtype),
                mask=lane0,
            )

        def ld1(ref, idxs):
            v = plsc.load_gather(
                ref,
                [jnp.full((16,), i, jnp.int32) for i in idxs],
                mask=lane0,
            )
            return v[0]

        def ffs_scalar(mask_vec):
            return jnp.max(plsc.all_reduce_ffs(mask_vec))

        def recompute_group(b, g):
            lo = g * 16
            s = lax.div(g, 16)
            vals = x_loc[b, pl.ds(lo, 16)]
            tk = taken[pl.ds(lo, 16)]
            sv = g1val[b, pl.ds(s * 16, 16)]
            masked = jnp.where(tk == 0, vals, _NEG_INF)
            mx = jnp.max(masked)
            sv2 = jnp.where(lane16 == lax.rem(g, 16), mx, sv)
            st1(g1val, (b, g), mx)
            st1(g1idx, (b, g), lo + ffs_scalar(masked == mx))
            st1(g2val, (b, s), jnp.max(sv2))

        pltpu.sync_copy(x_hbm.at[pl.ds(base, apt)], x_loc)
        zf = jnp.zeros((16,), jnp.float32)
        zi = jnp.zeros((16,), jnp.int32)

        def zero_taken(i, _):
            taken[pl.ds(i * 16, 16)] = zi
            return 0

        lax.fori_loop(0, m // 16, zero_taken, 0)

        def zero_pi(i, _):
            b = lax.div(i, m // 16)
            o = lax.rem(i, m // 16)
            pi_loc[b, pl.ds(o * 16, 16)] = zf
            return 0

        lax.fori_loop(0, apt * (m // 16), zero_pi, 0)

        def build_blk(i, _):
            b = lax.div(i, nsuper)
            blk = lax.rem(i, nsuper)
            gbase = (blk * 16 + lane16) * 16
            bvec = jnp.full((16,), b, jnp.int32)
            run = jnp.full((16,), _NEG_INF, jnp.float32)
            argk = jnp.zeros((16,), jnp.int32)
            for k in range(16):
                v = plsc.load_gather(x_loc, [bvec, gbase + k])
                upd = v > run
                run = jnp.where(upd, v, run)
                argk = jnp.where(upd, k, argk)
            g1val[b, pl.ds(blk * 16, 16)] = run
            g1idx[b, pl.ds(blk * 16, 16)] = gbase + argk
            return 0

        lax.fori_loop(0, apt * nsuper, build_blk, 0)

        def build_g2(i, _):
            b = lax.div(i, nsuper)
            s = lax.rem(i, nsuper)
            sv = g1val[b, pl.ds(s * 16, 16)]
            st1(g2val, (b, s), jnp.max(sv))
            return 0

        lax.fori_loop(0, apt * nsuper, build_g2, 0)

        ones16 = jnp.ones((16,), jnp.int32)

        def main_loop(parity):
            def sr_cond(c):
                return c[0] < m

            def sr_body(c):
                done, par = c
                for b in range(apt):
                    g2 = g2val[b, :]
                    s = ffs_scalar(g2 == jnp.max(g2))
                    grp = g1val[b, pl.ds(s * 16, 16)]
                    g = s * 16 + ffs_scalar(grp == jnp.max(grp))
                    st1(cand_loc, (b,), ld1(g1idx, (b, g)))

                pltpu.sync_copy(cand_loc, cand_slab.at[par, wid])
                plsc.subcore_barrier()
                pltpu.sync_copy(cand_slab.at[par], rbuf)

                limit = jnp.minimum(done + n, m)

                def ch_cond(cc):
                    return cc[1] != 0

                def ch_body(cc):
                    u, _ = cc
                    p_vec = u + lane16
                    valid = p_vec < limit
                    a_vec = lax.bitwise_and(p_vec, n - 1)
                    items = plsc.load_gather(
                        rbuf,
                        [lax.shift_right_logical(a_vec, 2),
                         lax.bitwise_and(a_vec, 3)],
                        mask=valid,
                    )
                    tkn = plsc.load_gather(taken, [items], mask=valid)
                    plsc.store_scatter(pos, [items], lane16, mask=valid)
                    winner = plsc.load_gather(pos, [items], mask=valid)
                    dup = winner != lane16
                    dup0 = jnp.logical_and(items == items[0], lane16 > 0)
                    bad = jnp.logical_and(
                        jnp.logical_and(
                            jnp.logical_or(tkn != 0,
                                           jnp.logical_or(dup, dup0)),
                            valid,
                        ),
                        jnp.logical_or(lane16 > 0, u > done),
                    )
                    stop = jnp.min(jnp.where(bad, lane16, 16))
                    acc_mask = jnp.logical_and(lane16 < stop, valid)
                    plsc.store_scatter(taken, [items], ones16, mask=acc_mask)
                    for b in range(apt):
                        leaders = plsc.load_gather(
                            g1idx,
                            [jnp.full((16,), b, jnp.int32),
                             lax.shift_right_logical(items, 4)],
                            mask=acc_mask,
                        )
                        hit = jnp.logical_and(leaders == items, acc_mask)
                        cur0 = jnp.where(hit, items, -1)

                        def rep_cond(rc):
                            return rc[1] >= 0

                        def rep_body(rc):
                            cur, it = rc
                            recompute_group(b, lax.shift_right_logical(it, 4))
                            cur = jnp.where(cur == it, -1, cur)
                            return cur, jnp.max(cur)

                        lax.while_loop(rep_cond, rep_body,
                                       (cur0, jnp.max(cur0)))

                    nacc = jnp.minimum(stop, limit - u)
                    cont = jnp.logical_and(stop == 16, u + nacc < limit)
                    return u + nacc, jnp.where(cont, 1, 0).astype(jnp.int32)

                upto, _ = lax.while_loop(ch_cond, ch_body,
                                         (done, jnp.int32(1)))

                p_vec = done + lax.bitwise_and(base + lane16 - done, n - 1)
                acc_b = jnp.logical_and(p_vec < upto, lane16 < apt)
                plsc.store_scatter(
                    pi_loc, [lane16, cand_loc[:]],
                    jnp.ones((16,), jnp.float32), mask=acc_b,
                )

                return upto, 1 - par

            lax.while_loop(sr_cond, sr_body, (jnp.int32(0), parity))

        main_loop(jnp.int32(0))
        pltpu.sync_copy(pi_loc, out_hbm.at[pl.ds(base, apt)])

    run = pl.kernel(
        body,
        out_type=jax.ShapeDtypeStruct((n, m), jnp.float32),
        mesh=mesh,
        compiler_params=pltpu.CompilerParams(
            needs_layout_passes=False, use_tc_tiling_on_sc=False
        ),
        scratch_types=[
            pltpu.VMEM((apt, m), jnp.float32),
            pltpu.VMEM((apt, m), jnp.float32),
            pltpu.VMEM((m,), jnp.int32),
            pltpu.VMEM((m,), jnp.int32),
            pltpu.VMEM((apt, ngroups), jnp.float32),
            pltpu.VMEM((apt, ngroups), jnp.int32),
            pltpu.VMEM((apt, nsuper), jnp.float32),
            pltpu.VMEM((16,), jnp.int32),
            pltpu.VMEM((num_tiles, 16), jnp.int32),
            pltpu.VMEM_SHARED((2, num_tiles, 16), jnp.int32),
        ],
    )
    return run(x)


def kernel(X):
    if X.ndim == 2:
        return _round_robin_2d(X)
    return jnp.stack([_round_robin_2d(X[i]) for i in range(X.shape[0])])

# --- scband reference (transcript-rebuilt; emitter-appended) ---
"""Pipeline reference for scband-rr-44401371906493 (READ-ONLY COPY).

The authoritative reference and input builder live on the scoring server;
editing this copy changes nothing except your own understanding.
"""

import jax, jax.numpy as jnp
import numpy as np
import math


def _round_robin(V):
    n, m = V.shape
    num_rounds = math.ceil(m / n)
    row_ids = jnp.tile(jnp.arange(n), num_rounds)

    def step(carry, i):
        pi, rest = carry
        a = V[i]
        avail = ~rest
        any_avail = jnp.any(avail)
        masked = jnp.where(avail, a, -jnp.inf)
        idx = jnp.argmax(masked)
        onehot = (jnp.arange(m) == idx).astype(jnp.float32)
        mask = jnp.where(any_avail, onehot, jnp.zeros((m,), jnp.float32))
        pi = pi.at[i].add(mask)
        rest = rest | (mask > 0.5)
        return (pi, rest), None

    init = (jnp.zeros((n, m), jnp.float32), jnp.zeros((m,), dtype=bool))
    (pi, _), _ = jax.lax.scan(step, init, row_ids)
    return pi


def setup_inputs(seed: int = 0) -> dict:
    key = jax.random.key(seed)
    X = jax.random.normal(key, (64, 4096), dtype=jnp.float32)
    return {"X": X}


def reference(X):
    if X.ndim == 2:
        return _round_robin(X)
    elif X.ndim == 3:
        return jnp.stack([_round_robin(X[i]) for i in range(X.shape[0])])

if __name__ == "__main__":
    import jax
    _d = setup_inputs()
    print(jax.jit(kernel)(*tuple(_d.values())))

</pallas_src>

<mosaic_0001>
#map = affine_map<(d0, d1) -> (0, 0)>
module attributes {stable_mosaic.version = 14 : i64} {
  func.func @body(%arg0: i32, %arg1: i32, %arg2: memref<64x4096xf32, #tpu.memory_space<hbm>>, %arg3: memref<64x4096xf32, #tpu.memory_space<hbm>>, %arg4: memref<4x4096xf32, #tpu.memory_space<vmem>>, %arg5: memref<4x4096xf32, #tpu.memory_space<vmem>>, %arg6: memref<4096xi32, #tpu.memory_space<vmem>>, %arg7: memref<4096xi32, #tpu.memory_space<vmem>>, %arg8: memref<4x256xf32, #tpu.memory_space<vmem>>, %arg9: memref<4x256xi32, #tpu.memory_space<vmem>>, %arg10: memref<4x16xf32, #tpu.memory_space<vmem>>, %arg11: memref<16xi32, #tpu.memory_space<vmem>>, %arg12: memref<16x16xi32, #tpu.memory_space<vmem>>, %arg13: memref<2x16x16xi32, #tpu.memory_space<vmem_shared>>) attributes {dimension_semantics = [#tpu.dimension_semantics<core_parallel>, #tpu.dimension_semantics<subcore_parallel>], iteration_bounds = array<i64: 1, 16>, scalar_prefetch = 0 : i64, scratch_operands = 10 : i64, tpu.core_type = #tpu.core_type<sc_vector_subcore>, window_params = [{transform_indices = #map}, {transform_indices = #map}]} {
    %mul3A = arith.constant 4 : i32
    %mul3A_0 = arith.muli %arg1, %mul3A : i32
    %iota3A = tpu.iota {dimensions = array<i32: 0>} : vector<16xi32>
    %eq3A = arith.constant 0 : i32
    %eq3A_1 = vector.broadcast %eq3A : i32 to vector<16xi32>
    %eq3A_2 = arith.cmpi eq, %iota3A, %eq3A_1 : vector<16xi32>
    "tpu.region"() ({
      %run_scoped3A = tpu.sem_alloc : memref<!tpu.dma_semaphore, #tpu.memory_space<semaphore_mem>>
      %dma_start3A = arith.constant 0 : i32
      %dma_start3A_37 = tpu.memref_slice %arg2[%mul3A_0, %dma_start3A] : memref<64x4096xf32, #tpu.memory_space<hbm>> -> memref<4x4096xf32, #tpu.memory_space<hbm>>
      %dma_start3A_38 = arith.constant 0 : i32
      %dma_start3A_39 = tpu.memref_slice %arg2[%mul3A_0, %dma_start3A_38] : memref<64x4096xf32, #tpu.memory_space<hbm>> -> memref<4x4096xf32, #tpu.memory_space<hbm>>
      tpu.enqueue_dma source(%dma_start3A_39 : memref<4x4096xf32, #tpu.memory_space<hbm>>) target(%arg4 : memref<4x4096xf32, #tpu.memory_space<vmem>>) target_semaphore(%run_scoped3A : memref<!tpu.dma_semaphore, #tpu.memory_space<semaphore_mem>>)
      %dma_wait3A = arith.constant 0 : i32
      %dma_wait3A_40 = tpu.memref_slice %arg2[%mul3A_0, %dma_wait3A] : memref<64x4096xf32, #tpu.memory_space<hbm>> -> memref<4x4096xf32, #tpu.memory_space<hbm>>
      %dma_wait3A_41 = arith.constant 0 : i32
      %dma_wait3A_42 = tpu.memref_slice %arg2[%mul3A_0, %dma_wait3A_41] : memref<64x4096xf32, #tpu.memory_space<hbm>> -> memref<4x4096xf32, #tpu.memory_space<hbm>>
      tpu.wait_dma2 semaphore(%run_scoped3A : memref<!tpu.dma_semaphore, #tpu.memory_space<semaphore_mem>>) src(%dma_wait3A_42 : memref<4x4096xf32, #tpu.memory_space<hbm>>) dst(%arg4 : memref<4x4096xf32, #tpu.memory_space<vmem>>)
      tpu.yield
    }) : () -> ()
    %broadcast_in_dim3A = arith.constant 0.000000e+00 : f32
    %broadcast_in_dim3A_3 = vector.broadcast %broadcast_in_dim3A : f32 to vector<16xf32>
    %broadcast_in_dim3A_4 = arith.constant 0 : i32
    %broadcast_in_dim3A_5 = vector.broadcast %broadcast_in_dim3A_4 : i32 to vector<16xi32>
    %scan3A = arith.constant 0 : i32
    %scan3A_6 = arith.constant 0 : i32
    %scan3A_7 = arith.constant 256 : i32
    %scan3A_8 = arith.addi %scan3A_6, %scan3A_7 : i32
    %scan3A_9 = arith.constant 1 : i32
    %scan3A_10 = scf.for %scan3A_37 = %scan3A_6 to %scan3A_8 step %scan3A_9 iter_args(%scan3A_38 = %scan3A) -> (i32)  : i32 {
      %mul3A_39 = arith.constant 16 : i32
      %mul3A_40 = arith.muli %scan3A_37, %mul3A_39 : i32
      %swap3A = arith.index_cast %mul3A_40 : i32 to index
      %swap3A_41 = tpu.vector_load %arg6[%swap3A] {strides = array<i32>} : memref<4096xi32, #tpu.memory_space<vmem>>, vector<16xi32>,
      tpu.vector_store %arg6[%swap3A], %broadcast_in_dim3A_5 {strides = array<i32>} : memref<4096xi32, #tpu.memory_space<vmem>>, vector<16xi32>,
      %scan3A_42 = arith.constant 0 : i32
      scf.yield %scan3A_42 : i32
    }
    %scan3A_11 = arith.constant 256 : i32
    %scan3A_12 = arith.constant 0 : i32
    %scan3A_13 = arith.constant 0 : i32
    %scan3A_14 = arith.constant 1024 : i32
    %scan3A_15 = arith.addi %scan3A_13, %scan3A_14 : i32
    %scan3A_16 = arith.constant 1 : i32
    %scan3A_17 = scf.for %scan3A_37 = %scan3A_13 to %scan3A_15 step %scan3A_16 iter_args(%scan3A_38 = %scan3A_12) -> (i32)  : i32 {
      %div3A = arith.constant 256 : i32
      %div3A_39 = arith.divsi %scan3A_37, %div3A : i32
      %rem3A = arith.constant 256 : i32
      %rem3A_40 = arith.remsi %scan3A_37, %rem3A : i32
      %mul3A_41 = arith.constant 16 : i32
      %mul3A_42 = arith.muli %rem3A_40, %mul3A_41 : i32
      %swap3A = arith.index_cast %div3A_39 : i32 to index
      %swap3A_43 = arith.index_cast %mul3A_42 : i32 to index
      %swap3A_44 = tpu.vector_load %arg5[%swap3A, %swap3A_43] {strides = array<i32>} : memref<4x4096xf32, #tpu.memory_space<vmem>>, vector<16xf32>,
      tpu.vector_store %arg5[%swap3A, %swap3A_43], %broadcast_in_dim3A_3 {strides = array<i32>} : memref<4x4096xf32, #tpu.memory_space<vmem>>, vector<16xf32>,
      %scan3A_45 = arith.constant 0 : i32
      scf.yield %scan3A_45 : i32
    }
    %scan3A_18 = arith.constant 1024 : i32
    %scan3A_19 = arith.constant 0 : i32
    %scan3A_20 = arith.constant 0 : i32
    %scan3A_21 = arith.constant 64 : i32
    %scan3A_22 = arith.addi %scan3A_20, %scan3A_21 : i32
    %scan3A_23 = arith.constant 1 : i32
    %scan3A_24 = scf.for %scan3A_37 = %scan3A_20 to %scan3A_22 step %scan3A_23 iter_args(%scan3A_38 = %scan3A_19) -> (i32)  : i32 {
      %div3A = arith.constant 16 : i32
      %div3A_39 = arith.divsi %scan3A_37, %div3A : i32
      %rem3A = arith.constant 16 : i32
      %rem3A_40 = arith.remsi %scan3A_37, %rem3A : i32
      %mul3A_41 = arith.constant 16 : i32
      %mul3A_42 = arith.muli %rem3A_40, %mul3A_41 : i32
      %add3A = vector.broadcast %mul3A_42 : i32 to vector<16xi32>
      %add3A_43 = arith.addi %add3A, %iota3A : vector<16xi32>
      %mul3A_44 = arith.constant 16 : i32
      %mul3A_45 = vector.broadcast %mul3A_44 : i32 to vector<16xi32>
      %mul3A_46 = arith.muli %add3A_43, %mul3A_45 : vector<16xi32>
      %broadcast_in_dim3A_47 = vector.broadcast %div3A_39 : i32 to vector<16xi32>
      %broadcast_in_dim3A_48 = arith.constant 0xFF800000 : f32
      %broadcast_in_dim3A_49 = vector.broadcast %broadcast_in_dim3A_48 : f32 to vector<16xf32>
      %broadcast_in_dim3A_50 = arith.constant 0 : i32
      %broadcast_in_dim3A_51 = vector.broadcast %broadcast_in_dim3A_50 : i32 to vector<16xi32>
      %add3A_52 = arith.constant 0 : i32
      %add3A_53 = vector.broadcast %add3A_52 : i32 to vector<16xi32>
      %add3A_54 = arith.addi %mul3A_46, %add3A_53 : vector<16xi32>
      %gather3A = tpu.vector_load_idx %arg4[%broadcast_in_dim3A_47, %add3A_54] : memref<4x4096xf32, #tpu.memory_space<vmem>>[vector<16xi32>, vector<16xi32>], vector<16xf32>,
      %gt3A = arith.cmpf ogt, %gather3A, %broadcast_in_dim3A_49 : vector<16xf32>
      %select_n3A = arith.select %gt3A, %gather3A, %broadcast_in_dim3A_49 : vector<16xi1>, vector<16xf32>
      %jit3A = arith.constant 0 : i32
      %broadcast_in_dim3A_55 = vector.broadcast %jit3A : i32 to vector<16xi32>
      %select_n3A_56 = arith.select %gt3A, %broadcast_in_dim3A_55, %broadcast_in_dim3A_51 : vector<16xi1>, vector<16xi32>
      %add3A_57 = arith.constant 1 : i32
      %add3A_58 = vector.broadcast %add3A_57 : i32 to vector<16xi32>
      %add3A_59 = arith.addi %mul3A_46, %add3A_58 : vector<16xi32>
      %gather3A_60 = tpu.vector_load_idx %arg4[%broadcast_in_dim3A_47, %add3A_59] : memref<4x4096xf32, #tpu.memory_space<vmem>>[vector<16xi32>, vector<16xi32>], vector<16xf32>,
      %gt3A_61 = arith.cmpf ogt, %gather3A_60, %select_n3A : vector<16xf32>
      %select_n3A_62 = arith.select %gt3A_61, %gather3A_60, %select_n3A : vector<16xi1>, vector<16xf32>
      %jit3A_63 = arith.constant 1 : i32
      %broadcast_in_dim3A_64 = vector.broadcast %jit3A_63 : i32 to vector<16xi32>
      %select_n3A_65 = arith.select %gt3A_61, %broadcast_in_dim3A_64, %select_n3A_56 : vector<16xi1>, vector<16xi32>
      %add3A_66 = arith.constant 2 : i32
      %add3A_67 = vector.broadcast %add3A_66 : i32 to vector<16xi32>
      %add3A_68 = arith.addi %mul3A_46, %add3A_67 : vector<16xi32>
      %gather3A_69 = tpu.vector_load_idx %arg4[%broadcast_in_dim3A_47, %add3A_68] : memref<4x4096xf32, #tpu.memory_space<vmem>>[vector<16xi32>, vector<16xi32>], vector<16xf32>,
      %gt3A_70 = arith.cmpf ogt, %gather3A_69, %select_n3A_62 : vector<16xf32>
      %select_n3A_71 = arith.select %gt3A_70, %gather3A_69, %select_n3A_62 : vector<16xi1>, vector<16xf32>
      %jit3A_72 = arith.constant 2 : i32
      %broadcast_in_dim3A_73 = vector.broadcast %jit3A_72 : i32 to vector<16xi32>
      %select_n3A_74 = arith.select %gt3A_70, %broadcast_in_dim3A_73, %select_n3A_65 : vector<16xi1>, vector<16xi32>
      %add3A_75 = arith.constant 3 : i32
      %add3A_76 = vector.broadcast %add3A_75 : i32 to vector<16xi32>
      %add3A_77 = arith.addi %mul3A_46, %add3A_76 : vector<16xi32>
      %gather3A_78 = tpu.vector_load_idx %arg4[%broadcast_in_dim3A_47, %add3A_77] : memref<4x4096xf32, #tpu.memory_space<vmem>>[vector<16xi32>, vector<16xi32>], vector<16xf32>,
      %gt3A_79 = arith.cmpf ogt, %gather3A_78, %select_n3A_71 : vector<16xf32>
      %select_n3A_80 = arith.select %gt3A_79, %gather3A_78, %select_n3A_71 : vector<16xi1>, vector<16xf32>
      %jit3A_81 = arith.constant 3 : i32
      %broadcast_in_dim3A_82 = vector.broadcast %jit3A_81 : i32 to vector<16xi32>
      %select_n3A_83 = arith.select %gt3A_79, %broadcast_in_dim3A_82, %select_n3A_74 : vector<16xi1>, vector<16xi32>
      %add3A_84 = arith.constant 4 : i32
      %add3A_85 = vector.broadcast %add3A_84 : i32 to vector<16xi32>
      %add3A_86 = arith.addi %mul3A_46, %add3A_85 : vector<16xi32>
      %gather3A_87 = tpu.vector_load_idx %arg4[%broadcast_in_dim3A_47, %add3A_86] : memref<4x4096xf32, #tpu.memory_space<vmem>>[vector<16xi32>, vector<16xi32>], vector<16xf32>,
      %gt3A_88 = arith.cmpf ogt, %gather3A_87, %select_n3A_80 : vector<16xf32>
      %select_n3A_89 = arith.select %gt3A_88, %gather3A_87, %select_n3A_80 : vector<16xi1>, vector<16xf32>
      %jit3A_90 = arith.constant 4 : i32
      %broadcast_in_dim3A_91 = vector.broadcast %jit3A_90 : i32 to vector<16xi32>
      %select_n3A_92 = arith.select %gt3A_88, %broadcast_in_dim3A_91, %select_n3A_83 : vector<16xi1>, vector<16xi32>
      %add3A_93 = arith.constant 5 : i32
      %add3A_94 = vector.broadcast %add3A_93 : i32 to vector<16xi32>
      %add3A_95 = arith.addi %mul3A_46, %add3A_94 : vector<16xi32>
      %gather3A_96 = tpu.vector_load_idx %arg4[%broadcast_in_dim3A_47, %add3A_95] : memref<4x4096xf32, #tpu.memory_space<vmem>>[vector<16xi32>, vector<16xi32>], vector<16xf32>,
      %gt3A_97 = arith.cmpf ogt, %gather3A_96, %select_n3A_89 : vector<16xf32>
      %select_n3A_98 = arith.select %gt3A_97, %gather3A_96, %select_n3A_89 : vector<16xi1>, vector<16xf32>
      %jit3A_99 = arith.constant 5 : i32
      %broadcast_in_dim3A_100 = vector.broadcast %jit3A_99 : i32 to vector<16xi32>
      %select_n3A_101 = arith.select %gt3A_97, %broadcast_in_dim3A_100, %select_n3A_92 : vector<16xi1>, vector<16xi32>
      %add3A_102 = arith.constant 6 : i32
      %add3A_103 = vector.broadcast %add3A_102 : i32 to vector<16xi32>
      %add3A_104 = arith.addi %mul3A_46, %add3A_103 : vector<16xi32>
      %gather3A_105 = tpu.vector_load_idx %arg4[%broadcast_in_dim3A_47, %add3A_104] : memref<4x4096xf32, #tpu.memory_space<vmem>>[vector<16xi32>, vector<16xi32>], vector<16xf32>,
      %gt3A_106 = arith.cmpf ogt, %gather3A_105, %select_n3A_98 : vector<16xf32>
      %select_n3A_107 = arith.select %gt3A_106, %gather3A_105, %select_n3A_98 : vector<16xi1>, vector<16xf32>
      %jit3A_108 = arith.constant 6 : i32
      %broadcast_in_dim3A_109 = vector.broadcast %jit3A_108 : i32 to vector<16xi32>
      %select_n3A_110 = arith.select %gt3A_106, %broadcast_in_dim3A_109, %select_n3A_101 : vector<16xi1>, vector<16xi32>
      %add3A_111 = arith.constant 7 : i32
      %add3A_112 = vector.broadcast %add3A_111 : i32 to vector<16xi32>
      %add3A_113 = arith.addi %mul3A_46, %add3A_112 : vector<16xi32>
      %gather3A_114 = tpu.vector_load_idx %arg4[%broadcast_in_dim3A_47, %add3A_113] : memref<4x4096xf32, #tpu.memory_space<vmem>>[vector<16xi32>, vector<16xi32>], vector<16xf32>,
      %gt3A_115 = arith.cmpf ogt, %gather3A_114, %select_n3A_107 : vector<16xf32>
      %select_n3A_116 = arith.select %gt3A_115, %gather3A_114, %select_n3A_107 : vector<16xi1>, vector<16xf32>
      %jit3A_117 = arith.constant 7 : i32
      %broadcast_in_dim3A_118 = vector.broadcast %jit3A_117 : i32 to vector<16xi32>
      %select_n3A_119 = arith.select %gt3A_115, %broadcast_in_dim3A_118, %select_n3A_110 : vector<16xi1>, vector<16xi32>
      %add3A_120 = arith.constant 8 : i32
      %add3A_121 = vector.broadcast %add3A_120 : i32 to vector<16xi32>
      %add3A_122 = arith.addi %mul3A_46, %add3A_121 : vector<16xi32>
      %gather3A_123 = tpu.vector_load_idx %arg4[%broadcast_in_dim3A_47, %add3A_122] : memref<4x4096xf32, #tpu.memory_space<vmem>>[vector<16xi32>, vector<16xi32>], vector<16xf32>,
      %gt3A_124 = arith.cmpf ogt, %gather3A_123, %select_n3A_116 : vector<16xf32>
      %select_n3A_125 = arith.select %gt3A_124, %gather3A_123, %select_n3A_116 : vector<16xi1>, vector<16xf32>
      %jit3A_126 = arith.constant 8 : i32
      %broadcast_in_dim3A_127 = vector.broadcast %jit3A_126 : i32 to vector<16xi32>
      %select_n3A_128 = arith.select %gt3A_124, %broadcast_in_dim3A_127, %select_n3A_119 : vector<16xi1>, vector<16xi32>
      %add3A_129 = arith.constant 9 : i32
      %add3A_130 = vector.broadcast %add3A_129 : i32 to vector<16xi32>
      %add3A_131 = arith.addi %mul3A_46, %add3A_130 : vector<16xi32>
      %gather3A_132 = tpu.vector_load_idx %arg4[%broadcast_in_dim3A_47, %add3A_131] : memref<4x4096xf32, #tpu.memory_space<vmem>>[vector<16xi32>, vector<16xi32>], vector<16xf32>,
      %gt3A_133 = arith.cmpf ogt, %gather3A_132, %select_n3A_125 : vector<16xf32>
      %select_n3A_134 = arith.select %gt3A_133, %gather3A_132, %select_n3A_125 : vector<16xi1>, vector<16xf32>
      %jit3A_135 = arith.constant 9 : i32
      %broadcast_in_dim3A_136 = vector.broadcast %jit3A_135 : i32 to vector<16xi32>
      %select_n3A_137 = arith.select %gt3A_133, %broadcast_in_dim3A_136, %select_n3A_128 : vector<16xi1>, vector<16xi32>
      %add3A_138 = arith.constant 10 : i32
      %add3A_139 = vector.broadcast %add3A_138 : i32 to vector<16xi32>
      %add3A_140 = arith.addi %mul3A_46, %add3A_139 : vector<16xi32>
      %gather3A_141 = tpu.vector_load_idx %arg4[%broadcast_in_dim3A_47, %add3A_140] : memref<4x4096xf32, #tpu.memory_space<vmem>>[vector<16xi32>, vector<16xi32>], vector<16xf32>,
      %gt3A_142 = arith.cmpf ogt, %gather3A_141, %select_n3A_134 : vector<16xf32>
      %select_n3A_143 = arith.select %gt3A_142, %gather3A_141, %select_n3A_134 : vector<16xi1>, vector<16xf32>
      %jit3A_144 = arith.constant 10 : i32
      %broadcast_in_dim3A_145 = vector.broadcast %jit3A_144 : i32 to vector<16xi32>
      %select_n3A_146 = arith.select %gt3A_142, %broadcast_in_dim3A_145, %select_n3A_137 : vector<16xi1>, vector<16xi32>
      %add3A_147 = arith.constant 11 : i32
      %add3A_148 = vector.broadcast %add3A_147 : i32 to vector<16xi32>
      %add3A_149 = arith.addi %mul3A_46, %add3A_148 : vector<16xi32>
      %gather3A_150 = tpu.vector_load_idx %arg4[%broadcast_in_dim3A_47, %add3A_149] : memref<4x4096xf32, #tpu.memory_space<vmem>>[vector<16xi32>, vector<16xi32>], vector<16xf32>,
      %gt3A_151 = arith.cmpf ogt, %gather3A_150, %select_n3A_143 : vector<16xf32>
      %select_n3A_152 = arith.select %gt3A_151, %gather3A_150, %select_n3A_143 : vector<16xi1>, vector<16xf32>
      %jit3A_153 = arith.constant 11 : i32
      %broadcast_in_dim3A_154 = vector.broadcast %jit3A_153 : i32 to vector<16xi32>
      %select_n3A_155 = arith.select %gt3A_151, %broadcast_in_dim3A_154, %select_n3A_146 : vector<16xi1>, vector<16xi32>
      %add3A_156 = arith.constant 12 : i32
      %add3A_157 = vector.broadcast %add3A_156 : i32 to vector<16xi32>
      %add3A_158 = arith.addi %mul3A_46, %add3A_157 : vector<16xi32>
      %gather3A_159 = tpu.vector_load_idx %arg4[%broadcast_in_dim3A_47, %add3A_158] : memref<4x4096xf32, #tpu.memory_space<vmem>>[vector<16xi32>, vector<16xi32>], vector<16xf32>,
      %gt3A_160 = arith.cmpf ogt, %gather3A_159, %select_n3A_152 : vector<16xf32>
      %select_n3A_161 = arith.select %gt3A_160, %gather3A_159, %select_n3A_152 : vector<16xi1>, vector<16xf32>
      %jit3A_162 = arith.constant 12 : i32
      %broadcast_in_dim3A_163 = vector.broadcast %jit3A_162 : i32 to vector<16xi32>
      %select_n3A_164 = arith.select %gt3A_160, %broadcast_in_dim3A_163, %select_n3A_155 : vector<16xi1>, vector<16xi32>
      %add3A_165 = arith.constant 13 : i32
      %add3A_166 = vector.broadcast %add3A_165 : i32 to vector<16xi32>
      %add3A_167 = arith.addi %mul3A_46, %add3A_166 : vector<16xi32>
      %gather3A_168 = tpu.vector_load_idx %arg4[%broadcast_in_dim3A_47, %add3A_167] : memref<4x4096xf32, #tpu.memory_space<vmem>>[vector<16xi32>, vector<16xi32>], vector<16xf32>,
      %gt3A_169 = arith.cmpf ogt, %gather3A_168, %select_n3A_161 : vector<16xf32>
      %select_n3A_170 = arith.select %gt3A_169, %gather3A_168, %select_n3A_161 : vector<16xi1>, vector<16xf32>
      %jit3A_171 = arith.constant 13 : i32
      %broadcast_in_dim3A_172 = vector.broadcast %jit3A_171 : i32 to vector<16xi32>
      %select_n3A_173 = arith.select %gt3A_169, %broadcast_in_dim3A_172, %select_n3A_164 : vector<16xi1>, vector<16xi32>
      %add3A_174 = arith.constant 14 : i32
      %add3A_175 = vector.broadcast %add3A_174 : i32 to vector<16xi32>
      %add3A_176 = arith.addi %mul3A_46, %add3A_175 : vector<16xi32>
      %gather3A_177 = tpu.vector_load_idx %arg4[%broadcast_in_dim3A_47, %add3A_176] : memref<4x4096xf32, #tpu.memory_space<vmem>>[vector<16xi32>, vector<16xi32>], vector<16xf32>,
      %gt3A_178 = arith.cmpf ogt, %gather3A_177, %select_n3A_170 : vector<16xf32>
      %select_n3A_179 = arith.select %gt3A_178, %gather3A_177, %select_n3A_170 : vector<16xi1>, vector<16xf32>
      %jit3A_180 = arith.constant 14 : i32
      %broadcast_in_dim3A_181 = vector.broadcast %jit3A_180 : i32 to vector<16xi32>
      %select_n3A_182 = arith.select %gt3A_178, %broadcast_in_dim3A_181, %select_n3A_173 : vector<16xi1>, vector<16xi32>
      %add3A_183 = arith.constant 15 : i32
      %add3A_184 = vector.broadcast %add3A_183 : i32 to vector<16xi32>
      %add3A_185 = arith.addi %mul3A_46, %add3A_184 : vector<16xi32>
      %gather3A_186 = tpu.vector_load_idx %arg4[%broadcast_in_dim3A_47, %add3A_185] : memref<4x4096xf32, #tpu.memory_space<vmem>>[vector<16xi32>, vector<16xi32>], vector<16xf32>,
      %gt3A_187 = arith.cmpf ogt, %gather3A_186, %select_n3A_179 : vector<16xf32>
      %select_n3A_188 = arith.select %gt3A_187, %gather3A_186, %select_n3A_179 : vector<16xi1>, vector<16xf32>
      %jit3A_189 = arith.constant 15 : i32
      %broadcast_in_dim3A_190 = vector.broadcast %jit3A_189 : i32 to vector<16xi32>
      %select_n3A_191 = arith.select %gt3A_187, %broadcast_in_dim3A_190, %select_n3A_182 : vector<16xi1>, vector<16xi32>
      %mul3A_192 = arith.constant 16 : i32
      %mul3A_193 = arith.muli %rem3A_40, %mul3A_192 : i32
      %swap3A = arith.index_cast %div3A_39 : i32 to index
      %swap3A_194 = arith.index_cast %mul3A_193 : i32 to index
      %swap3A_195 = tpu.vector_load %arg8[%swap3A, %swap3A_194] {strides = array<i32>} : memref<4x256xf32, #tpu.memory_space<vmem>>, vector<16xf32>,
      tpu.vector_store %arg8[%swap3A, %swap3A_194], %select_n3A_188 {strides = array<i32>} : memref<4x256xf32, #tpu.memory_space<vmem>>, vector<16xf32>,
      %add3A_196 = arith.addi %mul3A_46, %select_n3A_191 : vector<16xi32>
      %mul3A_197 = arith.constant 16 : i32
      %mul3A_198 = arith.muli %rem3A_40, %mul3A_197 : i32
      %swap3A_199 = arith.index_cast %div3A_39 : i32 to index
      %swap3A_200 = arith.index_cast %mul3A_198 : i32 to index
      %swap3A_201 = tpu.vector_load %arg9[%swap3A_199, %swap3A_200] {strides = array<i32>} : memref<4x256xi32, #tpu.memory_space<vmem>>, vector<16xi32>,
      tpu.vector_store %arg9[%swap3A_199, %swap3A_200], %add3A_196 {strides = array<i32>} : memref<4x256xi32, #tpu.memory_space<vmem>>, vector<16xi32>,
      %scan3A_202 = arith.constant 0 : i32
      scf.yield %scan3A_202 : i32
    }
    %scan3A_25 = arith.constant 64 : i32
    %scan3A_26 = arith.constant 0 : i32
    %scan3A_27 = arith.constant 0 : i32
    %scan3A_28 = arith.constant 64 : i32
    %scan3A_29 = arith.addi %scan3A_27, %scan3A_28 : i32
    %scan3A_30 = arith.constant 1 : i32
    %scan3A_31 = scf.for %scan3A_37 = %scan3A_27 to %scan3A_29 step %scan3A_30 iter_args(%scan3A_38 = %scan3A_26) -> (i32)  : i32 {
      %div3A = arith.constant 16 : i32
      %div3A_39 = arith.divsi %scan3A_37, %div3A : i32
      %rem3A = arith.constant 16 : i32
      %rem3A_40 = arith.remsi %scan3A_37, %rem3A : i32
      %mul3A_41 = arith.constant 16 : i32
      %mul3A_42 = arith.muli %rem3A_40, %mul3A_41 : i32
      %get3A = arith.index_cast %div3A_39 : i32 to index
      %get3A_43 = arith.index_cast %mul3A_42 : i32 to index
      %get3A_44 = tpu.vector_load %arg8[%get3A, %get3A_43] {strides = array<i32>} : memref<4x256xf32, #tpu.memory_space<vmem>>, vector<16xf32>,
      %reduce_max3A = arith.constant true
      %reduce_max3A_45 = vector.broadcast %reduce_max3A : i1 to vector<16xi1>
      %reduce_max3A_46 = tpu.scan <max>, %get3A_44 masked %reduce_max3A_45 : vector<16xf32>, vector<16xi1> -> vector<16xf32>
      %reduce_max3A_47 = vector.extract %reduce_max3A_46[15] : f32 from vector<16xf32>
      %broadcast_in_dim3A_48 = vector.broadcast %div3A_39 : i32 to vector<16xi32>
      %broadcast_in_dim3A_49 = vector.broadcast %rem3A_40 : i32 to vector<16xi32>
      %broadcast_in_dim3A_50 = vector.broadcast %reduce_max3A_47 : f32 to vector<16xf32>
      tpu.vector_store_idx %arg10[%broadcast_in_dim3A_48, %broadcast_in_dim3A_49], %broadcast_in_dim3A_50 masked %eq3A_2 : memref<4x16xf32, #tpu.memory_space<vmem>>[vector<16xi32>, vector<16xi32>], vector<16xf32>, vector<16xi1>
      %scan3A_51 = arith.constant 0 : i32
      scf.yield %scan3A_51 : i32
    }
    %scan3A_32 = arith.constant 64 : i32
    %broadcast_in_dim3A_33 = arith.constant 1 : i32
    %broadcast_in_dim3A_34 = vector.broadcast %broadcast_in_dim3A_33 : i32 to vector<16xi32>
    %while3A = arith.constant 0 : i32
    %while3A_35 = arith.constant 0 : i32
    %while3A_36:2 = scf.while (%while3A_37 = %while3A, %while3A_38 = %while3A_35) : (i32, i32) -> (i32, i32) {
      %lt3A = arith.constant 4096 : i32
      %lt3A_39 = arith.cmpi slt, %while3A_37, %lt3A : i32
      scf.condition(%lt3A_39) %while3A_37, %while3A_38 : i32, i32
    } do {
    ^bb0(%while3A_37: i32, %while3A_38: i32):
      %get3A = arith.constant 0 : i32
      %get3A_39 = arith.index_cast %get3A : i32 to index
      %get3A_40 = arith.constant 0 : index
      %get3A_41 = tpu.vector_load %arg10[%get3A_39, %get3A_40] {strides = array<i32>} : memref<4x16xf32, #tpu.memory_space<vmem>>, vector<16xf32>,
      %reduce_max3A = arith.constant true
      %reduce_max3A_42 = vector.broadcast %reduce_max3A : i1 to vector<16xi1>
      %reduce_max3A_43 = tpu.scan <max>, %get3A_41 masked %reduce_max3A_42 : vector<16xf32>, vector<16xi1> -> vector<16xf32>
      %reduce_max3A_44 = vector.extract %reduce_max3A_43[15] : f32 from vector<16xf32>
      %eq3A_45 = vector.broadcast %reduce_max3A_44 : f32 to vector<16xf32>
      %eq3A_46 = arith.cmpf oeq, %get3A_41, %eq3A_45 : vector<16xf32>
      %all_reduce_ffs3A = tpu.all_reduce %eq3A_46 {dim = 0 : i64, kind = #tpu.reduction_kind<find_first_set>} : vector<16xi1> -> vector<16xi32>
      %reduce_max3A_47 = arith.constant true
      %reduce_max3A_48 = vector.broadcast %reduce_max3A_47 : i1 to vector<16xi1>
      %reduce_max3A_49 = arith.constant -2147483648 : i32
      %reduce_max3A_50 = vector.broadcast %reduce_max3A_49 : i32 to vector<16xi32>
      %reduce_max3A_51 = arith.xori %all_reduce_ffs3A, %reduce_max3A_50 : vector<16xi32>
      %reduce_max3A_52 = tpu.scan <max>, %reduce_max3A_51 masked %reduce_max3A_48 : vector<16xi32>, vector<16xi1> -> vector<16xi32>
      %reduce_max3A_53 = arith.xori %reduce_max3A_52, %reduce_max3A_50 : vector<16xi32>
      %reduce_max3A_54 = vector.extract %reduce_max3A_53[15] : i32 from vector<16xi32>
      %mul3A_55 = arith.constant 16 : i32
      %mul3A_56 = arith.muli %reduce_max3A_54, %mul3A_55 : i32
      %get3A_57 = arith.constant 0 : i32
      %get3A_58 = arith.index_cast %get3A_57 : i32 to index
      %get3A_59 = arith.index_cast %mul3A_56 : i32 to index
      %get3A_60 = tpu.vector_load %arg8[%get3A_58, %get3A_59] {strides = array<i32>} : memref<4x256xf32, #tpu.memory_space<vmem>>, vector<16xf32>,
      %mul3A_61 = arith.constant 16 : i32
      %mul3A_62 = arith.muli %reduce_max3A_54, %mul3A_61 : i32
      %reduce_max3A_63 = arith.constant true
      %reduce_max3A_64 = vector.broadcast %reduce_max3A_63 : i1 to vector<16xi1>
      %reduce_max3A_65 = tpu.scan <max>, %get3A_60 masked %reduce_max3A_64 : vector<16xf32>, vector<16xi1> -> vector<16xf32>
      %reduce_max3A_66 = vector.extract %reduce_max3A_65[15] : f32 from vector<16xf32>
      %eq3A_67 = vector.broadcast %reduce_max3A_66 : f32 to vector<16xf32>
      %eq3A_68 = arith.cmpf oeq, %get3A_60, %eq3A_67 : vector<16xf32>
      %all_reduce_ffs3A_69 = tpu.all_reduce %eq3A_68 {dim = 0 : i64, kind = #tpu.reduction_kind<find_first_set>} : vector<16xi1> -> vector<16xi32>
      %reduce_max3A_70 = arith.constant true
      %reduce_max3A_71 = vector.broadcast %reduce_max3A_70 : i1 to vector<16xi1>
      %reduce_max3A_72 = arith.constant -2147483648 : i32
      %reduce_max3A_73 = vector.broadcast %reduce_max3A_72 : i32 to vector<16xi32>
      %reduce_max3A_74 = arith.xori %all_reduce_ffs3A_69, %reduce_max3A_73 : vector<16xi32>
      %reduce_max3A_75 = tpu.scan <max>, %reduce_max3A_74 masked %reduce_max3A_71 : vector<16xi32>, vector<16xi1> -> vector<16xi32>
      %reduce_max3A_76 = arith.xori %reduce_max3A_75, %reduce_max3A_73 : vector<16xi32>
      %reduce_max3A_77 = vector.extract %reduce_max3A_76[15] : i32 from vector<16xi32>
      %add3A = arith.addi %mul3A_62, %reduce_max3A_77 : i32
      %broadcast_in_dim3A_78 = arith.constant 0 : i32
      %broadcast_in_dim3A_79 = vector.broadcast %broadcast_in_dim3A_78 : i32 to vector<16xi32>
      %broadcast_in_dim3A_80 = vector.broadcast %add3A : i32 to vector<16xi32>
      %gather3A = tpu.vector_load_idx %arg9[%broadcast_in_dim3A_79, %broadcast_in_dim3A_80] masked %eq3A_2 : memref<4x256xi32, #tpu.memory_space<vmem>>[vector<16xi32>, vector<16xi32>], vector<16xi32>, vector<16xi1>
      %slice3A = vector.extract_strided_slice %gather3A {offsets = [0], sizes = [1], strides = [1]} : vector<16xi32> to vector<1xi32>
      %squeeze3A = vector.extract %slice3A[0] : i32 from vector<1xi32>
      %broadcast_in_dim3A_81 = arith.constant 0 : i32
      %broadcast_in_dim3A_82 = vector.broadcast %broadcast_in_dim3A_81 : i32 to vector<16xi32>
      %broadcast_in_dim3A_83 = vector.broadcast %squeeze3A : i32 to vector<16xi32>
      tpu.vector_store_idx %arg11[%broadcast_in_dim3A_82], %broadcast_in_dim3A_83 masked %eq3A_2 : memref<16xi32, #tpu.memory_space<vmem>>[vector<16xi32>], vector<16xi32>, vector<16xi1>
      %get3A_84 = arith.constant 1 : i32
      %get3A_85 = arith.index_cast %get3A_84 : i32 to index
      %get3A_86 = arith.constant 0 : index
      %get3A_87 = tpu.vector_load %arg10[%get3A_85, %get3A_86] {strides = array<i32>} : memref<4x16xf32, #tpu.memory_space<vmem>>, vector<16xf32>,
      %reduce_max3A_88 = arith.constant true
      %reduce_max3A_89 = vector.broadcast %reduce_max3A_88 : i1 to vector<16xi1>
      %reduce_max3A_90 = tpu.scan <max>, %get3A_87 masked %reduce_max3A_89 : vector<16xf32>, vector<16xi1> -> vector<16xf32>
      %reduce_max3A_91 = vector.extract %reduce_max3A_90[15] : f32 from vector<16xf32>
      %eq3A_92 = vector.broadcast %reduce_max3A_91 : f32 to vector<16xf32>
      %eq3A_93 = arith.cmpf oeq, %get3A_87, %eq3A_92 : vector<16xf32>
      %all_reduce_ffs3A_94 = tpu.all_reduce %eq3A_93 {dim = 0 : i64, kind = #tpu.reduction_kind<find_first_set>} : vector<16xi1> -> vector<16xi32>
      %reduce_max3A_95 = arith.constant true
      %reduce_max3A_96 = vector.broadcast %reduce_max3A_95 : i1 to vector<16xi1>
      %reduce_max3A_97 = arith.constant -2147483648 : i32
      %reduce_max3A_98 = vector.broadcast %reduce_max3A_97 : i32 to vector<16xi32>
      %reduce_max3A_99 = arith.xori %all_reduce_ffs3A_94, %reduce_max3A_98 : vector<16xi32>
      %reduce_max3A_100 = tpu.scan <max>, %reduce_max3A_99 masked %reduce_max3A_96 : vector<16xi32>, vector<16xi1> -> vector<16xi32>
      %reduce_max3A_101 = arith.xori %reduce_max3A_100, %reduce_max3A_98 : vector<16xi32>
      %reduce_max3A_102 = vector.extract %reduce_max3A_101[15] : i32 from vector<16xi32>
      %mul3A_103 = arith.constant 16 : i32
      %mul3A_104 = arith.muli %reduce_max3A_102, %mul3A_103 : i32
      %get3A_105 = arith.constant 1 : i32
      %get3A_106 = arith.index_cast %get3A_105 : i32 to index
      %get3A_107 = arith.index_cast %mul3A_104 : i32 to index
      %get3A_108 = tpu.vector_load %arg8[%get3A_106, %get3A_107] {strides = array<i32>} : memref<4x256xf32, #tpu.memory_space<vmem>>, vector<16xf32>,
      %mul3A_109 = arith.constant 16 : i32
      %mul3A_110 = arith.muli %reduce_max3A_102, %mul3A_109 : i32
      %reduce_max3A_111 = arith.constant true
      %reduce_max3A_112 = vector.broadcast %reduce_max3A_111 : i1 to vector<16xi1>
      %reduce_max3A_113 = tpu.scan <max>, %get3A_108 masked %reduce_max3A_112 : vector<16xf32>, vector<16xi1> -> vector<16xf32>
      %reduce_max3A_114 = vector.extract %reduce_max3A_113[15] : f32 from vector<16xf32>
      %eq3A_115 = vector.broadcast %reduce_max3A_114 : f32 to vector<16xf32>
      %eq3A_116 = arith.cmpf oeq, %get3A_108, %eq3A_115 : vector<16xf32>
      %all_reduce_ffs3A_117 = tpu.all_reduce %eq3A_116 {dim = 0 : i64, kind = #tpu.reduction_kind<find_first_set>} : vector<16xi1> -> vector<16xi32>
      %reduce_max3A_118 = arith.constant true
      %reduce_max3A_119 = vector.broadcast %reduce_max3A_118 : i1 to vector<16xi1>
      %reduce_max3A_120 = arith.constant -2147483648 : i32
      %reduce_max3A_121 = vector.broadcast %reduce_max3A_120 : i32 to vector<16xi32>
      %reduce_max3A_122 = arith.xori %all_reduce_ffs3A_117, %reduce_max3A_121 : vector<16xi32>
      %reduce_max3A_123 = tpu.scan <max>, %reduce_max3A_122 masked %reduce_max3A_119 : vector<16xi32>, vector<16xi1> -> vector<16xi32>
      %reduce_max3A_124 = arith.xori %reduce_max3A_123, %reduce_max3A_121 : vector<16xi32>
      %reduce_max3A_125 = vector.extract %reduce_max3A_124[15] : i32 from vector<16xi32>
      %add3A_126 = arith.addi %mul3A_110, %reduce_max3A_125 : i32
      %broadcast_in_dim3A_127 = arith.constant 1 : i32
      %broadcast_in_dim3A_128 = vector.broadcast %broadcast_in_dim3A_127 : i32 to vector<16xi32>
      %broadcast_in_dim3A_129 = vector.broadcast %add3A_126 : i32 to vector<16xi32>
      %gather3A_130 = tpu.vector_load_idx %arg9[%broadcast_in_dim3A_128, %broadcast_in_dim3A_129] masked %eq3A_2 : memref<4x256xi32, #tpu.memory_space<vmem>>[vector<16xi32>, vector<16xi32>], vector<16xi32>, vector<16xi1>
      %slice3A_131 = vector.extract_strided_slice %gather3A_130 {offsets = [0], sizes = [1], strides = [1]} : vector<16xi32> to vector<1xi32>
      %squeeze3A_132 = vector.extract %slice3A_131[0] : i32 from vector<1xi32>
      %broadcast_in_dim3A_133 = arith.constant 1 : i32
      %broadcast_in_dim3A_134 = vector.broadcast %broadcast_in_dim3A_133 : i32 to vector<16xi32>
      %broadcast_in_dim3A_135 = vector.broadcast %squeeze3A_132 : i32 to vector<16xi32>
      tpu.vector_store_idx %arg11[%broadcast_in_dim3A_134], %broadcast_in_dim3A_135 masked %eq3A_2 : memref<16xi32, #tpu.memory_space<vmem>>[vector<16xi32>], vector<16xi32>, vector<16xi1>
      %get3A_136 = arith.constant 2 : i32
      %get3A_137 = arith.index_cast %get3A_136 : i32 to index
      %get3A_138 = arith.constant 0 : index
      %get3A_139 = tpu.vector_load %arg10[%get3A_137, %get3A_138] {strides = array<i32>} : memref<4x16xf32, #tpu.memory_space<vmem>>, vector<16xf32>,
      %reduce_max3A_140 = arith.constant true
      %reduce_max3A_141 = vector.broadcast %reduce_max3A_140 : i1 to vector<16xi1>
      %reduce_max3A_142 = tpu.scan <max>, %get3A_139 masked %reduce_max3A_141 : vector<16xf32>, vector<16xi1> -> vector<16xf32>
      %reduce_max3A_143 = vector.extract %reduce_max3A_142[15] : f32 from vector<16xf32>
      %eq3A_144 = vector.broadcast %reduce_max3A_143 : f32 to vector<16xf32>
      %eq3A_145 = arith.cmpf oeq, %get3A_139, %eq3A_144 : vector<16xf32>
      %all_reduce_ffs3A_146 = tpu.all_reduce %eq3A_145 {dim = 0 : i64, kind = #tpu.reduction_kind<find_first_set>} : vector<16xi1> -> vector<16xi32>
      %reduce_max3A_147 = arith.constant true
      %reduce_max3A_148 = vector.broadcast %reduce_max3A_147 : i1 to vector<16xi1>
      %reduce_max3A_149 = arith.constant -2147483648 : i32
      %reduce_max3A_150 = vector.broadcast %reduce_max3A_149 : i32 to vector<16xi32>
      %reduce_max3A_151 = arith.xori %all_reduce_ffs3A_146, %reduce_max3A_150 : vector<16xi32>
      %reduce_max3A_152 = tpu.scan <max>, %reduce_max3A_151 masked %reduce_max3A_148 : vector<16xi32>, vector<16xi1> -> vector<16xi32>
      %reduce_max3A_153 = arith.xori %reduce_max3A_152, %reduce_max3A_150 : vector<16xi32>
      %reduce_max3A_154 = vector.extract %reduce_max3A_153[15] : i32 from vector<16xi32>
      %mul3A_155 = arith.constant 16 : i32
      %mul3A_156 = arith.muli %reduce_max3A_154, %mul3A_155 : i32
      %get3A_157 = arith.constant 2 : i32
      %get3A_158 = arith.index_cast %get3A_157 : i32 to index
      %get3A_159 = arith.index_cast %mul3A_156 : i32 to index
      %get3A_160 = tpu.vector_load %arg8[%get3A_158, %get3A_159] {strides = array<i32>} : memref<4x256xf32, #tpu.memory_space<vmem>>, vector<16xf32>,
      %mul3A_161 = arith.constant 16 : i32
      %mul3A_162 = arith.muli %reduce_max3A_154, %mul3A_161 : i32
      %reduce_max3A_163 = arith.constant true
      %reduce_max3A_164 = vector.broadcast %reduce_max3A_163 : i1 to vector<16xi1>
      %reduce_max3A_165 = tpu.scan <max>, %get3A_160 masked %reduce_max3A_164 : vector<16xf32>, vector<16xi1> -> vector<16xf32>
      %reduce_max3A_166 = vector.extract %reduce_max3A_165[15] : f32 from vector<16xf32>
      %eq3A_167 = vector.broadcast %reduce_max3A_166 : f32 to vector<16xf32>
      %eq3A_168 = arith.cmpf oeq, %get3A_160, %eq3A_167 : vector<16xf32>
      %all_reduce_ffs3A_169 = tpu.all_reduce %eq3A_168 {dim = 0 : i64, kind = #tpu.reduction_kind<find_first_set>} : vector<16xi1> -> vector<16xi32>
      %reduce_max3A_170 = arith.constant true
      %reduce_max3A_171 = vector.broadcast %reduce_max3A_170 : i1 to vector<16xi1>
      %reduce_max3A_172 = arith.constant -2147483648 : i32
      %reduce_max3A_173 = vector.broadcast %reduce_max3A_172 : i32 to vector<16xi32>
      %reduce_max3A_174 = arith.xori %all_reduce_ffs3A_169, %reduce_max3A_173 : vector<16xi32>
      %reduce_max3A_175 = tpu.scan <max>, %reduce_max3A_174 masked %reduce_max3A_171 : vector<16xi32>, vector<16xi1> -> vector<16xi32>
      %reduce_max3A_176 = arith.xori %reduce_max3A_175, %reduce_max3A_173 : vector<16xi32>
      %reduce_max3A_177 = vector.extract %reduce_max3A_176[15] : i32 from vector<16xi32>
      %add3A_178 = arith.addi %mul3A_162, %reduce_max3A_177 : i32
      %broadcast_in_dim3A_179 = arith.constant 2 : i32
      %broadcast_in_dim3A_180 = vector.broadcast %broadcast_in_dim3A_179 : i32 to vector<16xi32>
      %broadcast_in_dim3A_181 = vector.broadcast %add3A_178 : i32 to vector<16xi32>
      %gather3A_182 = tpu.vector_load_idx %arg9[%broadcast_in_dim3A_180, %broadcast_in_dim3A_181] masked %eq3A_2 : memref<4x256xi32, #tpu.memory_space<vmem>>[vector<16xi32>, vector<16xi32>], vector<16xi32>, vector<16xi1>
      %slice3A_183 = vector.extract_strided_slice %gather3A_182 {offsets = [0], sizes = [1], strides = [1]} : vector<16xi32> to vector<1xi32>
      %squeeze3A_184 = vector.extract %slice3A_183[0] : i32 from vector<1xi32>
      %broadcast_in_dim3A_185 = arith.constant 2 : i32
      %broadcast_in_dim3A_186 = vector.broadcast %broadcast_in_dim3A_185 : i32 to vector<16xi32>
      %broadcast_in_dim3A_187 = vector.broadcast %squeeze3A_184 : i32 to vector<16xi32>
      tpu.vector_store_idx %arg11[%broadcast_in_dim3A_186], %broadcast_in_dim3A_187 masked %eq3A_2 : memref<16xi32, #tpu.memory_space<vmem>>[vector<16xi32>], vector<16xi32>, vector<16xi1>
      %get3A_188 = arith.constant 3 : i32
      %get3A_189 = arith.index_cast %get3A_188 : i32 to index
      %get3A_190 = arith.constant 0 : index
      %get3A_191 = tpu.vector_load %arg10[%get3A_189, %get3A_190] {strides = array<i32>} : memref<4x16xf32, #tpu.memory_space<vmem>>, vector<16xf32>,
      %reduce_max3A_192 = arith.constant true
      %reduce_max3A_193 = vector.broadcast %reduce_max3A_192 : i1 to vector<16xi1>
      %reduce_max3A_194 = tpu.scan <max>, %get3A_191 masked %reduce_max3A_193 : vector<16xf32>, vector<16xi1> -> vector<16xf32>
      %reduce_max3A_195 = vector.extract %reduce_max3A_194[15] : f32 from vector<16xf32>
      %eq3A_196 = vector.broadcast %reduce_max3A_195 : f32 to vector<16xf32>
      %eq3A_197 = arith.cmpf oeq, %get3A_191, %eq3A_196 : vector<16xf32>
      %all_reduce_ffs3A_198 = tpu.all_reduce %eq3A_197 {dim = 0 : i64, kind = #tpu.reduction_kind<find_first_set>} : vector<16xi1> -> vector<16xi32>
      %reduce_max3A_199 = arith.constant true
      %reduce_max3A_200 = vector.broadcast %reduce_max3A_199 : i1 to vector<16xi1>
      %reduce_max3A_201 = arith.constant -2147483648 : i32
      %reduce_max3A_202 = vector.broadcast %reduce_max3A_201 : i32 to vector<16xi32>
      %reduce_max3A_203 = arith.xori %all_reduce_ffs3A_198, %reduce_max3A_202 : vector<16xi32>
      %reduce_max3A_204 = tpu.scan <max>, %reduce_max3A_203 masked %reduce_max3A_200 : vector<16xi32>, vector<16xi1> -> vector<16xi32>
      %reduce_max3A_205 = arith.xori %reduce_max3A_204, %reduce_max3A_202 : vector<16xi32>
      %reduce_max3A_206 = vector.extract %reduce_max3A_205[15] : i32 from vector<16xi32>
      %mul3A_207 = arith.constant 16 : i32
      %mul3A_208 = arith.muli %reduce_max3A_206, %mul3A_207 : i32
      %get3A_209 = arith.constant 3 : i32
      %get3A_210 = arith.index_cast %get3A_209 : i32 to index
      %get3A_211 = arith.index_cast %mul3A_208 : i32 to index
      %get3A_212 = tpu.vector_load %arg8[%get3A_210, %get3A_211] {strides = array<i32>} : memref<4x256xf32, #tpu.memory_space<vmem>>, vector<16xf32>,
      %mul3A_213 = arith.constant 16 : i32
      %mul3A_214 = arith.muli %reduce_max3A_206, %mul3A_213 : i32
      %reduce_max3A_215 = arith.constant true
      %reduce_max3A_216 = vector.broadcast %reduce_max3A_215 : i1 to vector<16xi1>
      %reduce_max3A_217 = tpu.scan <max>, %get3A_212 masked %reduce_max3A_216 : vector<16xf32>, vector<16xi1> -> vector<16xf32>
      %reduce_max3A_218 = vector.extract %reduce_max3A_217[15] : f32 from vector<16xf32>
      %eq3A_219 = vector.broadcast %reduce_max3A_218 : f32 to vector<16xf32>
      %eq3A_220 = arith.cmpf oeq, %get3A_212, %eq3A_219 : vector<16xf32>
      %all_reduce_ffs3A_221 = tpu.all_reduce %eq3A_220 {dim = 0 : i64, kind = #tpu.reduction_kind<find_first_set>} : vector<16xi1> -> vector<16xi32>
      %reduce_max3A_222 = arith.constant true
      %reduce_max3A_223 = vector.broadcast %reduce_max3A_222 : i1 to vector<16xi1>
      %reduce_max3A_224 = arith.constant -2147483648 : i32
      %reduce_max3A_225 = vector.broadcast %reduce_max3A_224 : i32 to vector<16xi32>
      %reduce_max3A_226 = arith.xori %all_reduce_ffs3A_221, %reduce_max3A_225 : vector<16xi32>
      %reduce_max3A_227 = tpu.scan <max>, %reduce_max3A_226 masked %reduce_max3A_223 : vector<16xi32>, vector<16xi1> -> vector<16xi32>
      %reduce_max3A_228 = arith.xori %reduce_max3A_227, %reduce_max3A_225 : vector<16xi32>
      %reduce_max3A_229 = vector.extract %reduce_max3A_228[15] : i32 from vector<16xi32>
      %add3A_230 = arith.addi %mul3A_214, %reduce_max3A_229 : i32
      %broadcast_in_dim3A_231 = arith.constant 3 : i32
      %broadcast_in_dim3A_232 = vector.broadcast %broadcast_in_dim3A_231 : i32 to vector<16xi32>
      %broadcast_in_dim3A_233 = vector.broadcast %add3A_230 : i32 to vector<16xi32>
      %gather3A_234 = tpu.vector_load_idx %arg9[%broadcast_in_dim3A_232, %broadcast_in_dim3A_233] masked %eq3A_2 : memref<4x256xi32, #tpu.memory_space<vmem>>[vector<16xi32>, vector<16xi32>], vector<16xi32>, vector<16xi1>
      %slice3A_235 = vector.extract_strided_slice %gather3A_234 {offsets = [0], sizes = [1], strides = [1]} : vector<16xi32> to vector<1xi32>
      %squeeze3A_236 = vector.extract %slice3A_235[0] : i32 from vector<1xi32>
      %broadcast_in_dim3A_237 = arith.constant 3 : i32
      %broadcast_in_dim3A_238 = vector.broadcast %broadcast_in_dim3A_237 : i32 to vector<16xi32>
      %broadcast_in_dim3A_239 = vector.broadcast %squeeze3A_236 : i32 to vector<16xi32>
      tpu.vector_store_idx %arg11[%broadcast_in_dim3A_238], %broadcast_in_dim3A_239 masked %eq3A_2 : memref<16xi32, #tpu.memory_space<vmem>>[vector<16xi32>], vector<16xi32>, vector<16xi1>
      "tpu.region"() ({
        %run_scoped3A = tpu.sem_alloc : memref<!tpu.dma_semaphore, #tpu.memory_space<semaphore_mem>>
        %dma_start3A = arith.constant 0 : i32
        %dma_start3A_263 = tpu.memref_slice %arg13[%while3A_38, %arg1, %dma_start3A] : memref<2x16x16xi32, #tpu.memory_space<vmem_shared>> -> memref<1x1x16xi32, #tpu.memory_space<vmem_shared>>
        %dma_start3A_264 = tpu.memref_squeeze %dma_start3A_263 : memref<1x1x16xi32, #tpu.memory_space<vmem_shared>> -> memref<16xi32, #tpu.memory_space<vmem_shared>>
        %dma_start3A_265 = arith.constant 0 : i32
        %dma_start3A_266 = tpu.memref_slice %arg13[%while3A_38, %arg1, %dma_start3A_265] : memref<2x16x16xi32, #tpu.memory_space<vmem_shared>> -> memref<1x1x16xi32, #tpu.memory_space<vmem_shared>>
        %dma_start3A_267 = tpu.memref_squeeze %dma_start3A_266 : memref<1x1x16xi32, #tpu.memory_space<vmem_shared>> -> memref<16xi32, #tpu.memory_space<vmem_shared>>
        tpu.enqueue_dma source(%arg11 : memref<16xi32, #tpu.memory_space<vmem>>) target(%dma_start3A_267 : memref<16xi32, #tpu.memory_space<vmem_shared>>) target_semaphore(%run_scoped3A : memref<!tpu.dma_semaphore, #tpu.memory_space<semaphore_mem>>)
        %dma_wait3A = arith.constant 0 : i32
        %dma_wait3A_268 = tpu.memref_slice %arg13[%while3A_38, %arg1, %dma_wait3A] : memref<2x16x16xi32, #tpu.memory_space<vmem_shared>> -> memref<1x1x16xi32, #tpu.memory_space<vmem_shared>>
        %dma_wait3A_269 = tpu.memref_squeeze %dma_wait3A_268 : memref<1x1x16xi32, #tpu.memory_space<vmem_shared>> -> memref<16xi32, #tpu.memory_space<vmem_shared>>
        %dma_wait3A_270 = arith.constant 0 : i32
        %dma_wait3A_271 = tpu.memref_slice %arg13[%while3A_38, %arg1, %dma_wait3A_270] : memref<2x16x16xi32, #tpu.memory_space<vmem_shared>> -> memref<1x1x16xi32, #tpu.memory_space<vmem_shared>>
        %dma_wait3A_272 = tpu.memref_squeeze %dma_wait3A_271 : memref<1x1x16xi32, #tpu.memory_space<vmem_shared>> -> memref<16xi32, #tpu.memory_space<vmem_shared>>
        tpu.wait_dma2 semaphore(%run_scoped3A : memref<!tpu.dma_semaphore, #tpu.memory_space<semaphore_mem>>) src(%arg11 : memref<16xi32, #tpu.memory_space<vmem>>) dst(%dma_wait3A_272 : memref<16xi32, #tpu.memory_space<vmem_shared>>)
        tpu.yield
      }) : () -> ()
      %barrier3A = arith.constant 0 : index
      tpu.barrier barrier_id(%barrier3A)
      "tpu.region"() ({
        %run_scoped3A = tpu.sem_alloc : memref<!tpu.dma_semaphore, #tpu.memory_space<semaphore_mem>>
        %dma_start3A = arith.constant 0 : i32
        %dma_start3A_263 = arith.constant 0 : i32
        %dma_start3A_264 = tpu.memref_slice %arg13[%while3A_38, %dma_start3A, %dma_start3A_263] : memref<2x16x16xi32, #tpu.memory_space<vmem_shared>> -> memref<1x16x16xi32, #tpu.memory_space<vmem_shared>>
        %dma_start3A_265 = tpu.memref_squeeze %dma_start3A_264 : memref<1x16x16xi32, #tpu.memory_space<vmem_shared>> -> memref<16x16xi32, #tpu.memory_space<vmem_shared>>
        %dma_start3A_266 = arith.constant 0 : i32
        %dma_start3A_267 = arith.constant 0 : i32
        %dma_start3A_268 = tpu.memref_slice %arg13[%while3A_38, %dma_start3A_266, %dma_start3A_267] : memref<2x16x16xi32, #tpu.memory_space<vmem_shared>> -> memref<1x16x16xi32, #tpu.memory_space<vmem_shared>>
        %dma_start3A_269 = tpu.memref_squeeze %dma_start3A_268 : memref<1x16x16xi32, #tpu.memory_space<vmem_shared>> -> memref<16x16xi32, #tpu.memory_space<vmem_shared>>
        tpu.enqueue_dma source(%dma_start3A_269 : memref<16x16xi32, #tpu.memory_space<vmem_shared>>) target(%arg12 : memref<16x16xi32, #tpu.memory_space<vmem>>) target_semaphore(%run_scoped3A : memref<!tpu.dma_semaphore, #tpu.memory_space<semaphore_mem>>)
        %dma_wait3A = arith.constant 0 : i32
        %dma_wait3A_270 = arith.constant 0 : i32
        %dma_wait3A_271 = tpu.memref_slice %arg13[%while3A_38, %dma_wait3A, %dma_wait3A_270] : memref<2x16x16xi32, #tpu.memory_space<vmem_shared>> -> memref<1x16x16xi32, #tpu.memory_space<vmem_shared>>
        %dma_wait3A_272 = tpu.memref_squeeze %dma_wait3A_271 : memref<1x16x16xi32, #tpu.memory_space<vmem_shared>> -> memref<16x16xi32, #tpu.memory_space<vmem_shared>>
        %dma_wait3A_273 = arith.constant 0 : i32
        %dma_wait3A_274 = arith.constant 0 : i32
        %dma_wait3A_275 = tpu.memref_slice %arg13[%while3A_38, %dma_wait3A_273, %dma_wait3A_274] : memref<2x16x16xi32, #tpu.memory_space<vmem_shared>> -> memref<1x16x16xi32, #tpu.memory_space<vmem_shared>>
        %dma_wait3A_276 = tpu.memref_squeeze %dma_wait3A_275 : memref<1x16x16xi32, #tpu.memory_space<vmem_shared>> -> memref<16x16xi32, #tpu.memory_space<vmem_shared>>
        tpu.wait_dma2 semaphore(%run_scoped3A : memref<!tpu.dma_semaphore, #tpu.memory_space<semaphore_mem>>) src(%dma_wait3A_276 : memref<16x16xi32, #tpu.memory_space<vmem_shared>>) dst(%arg12 : memref<16x16xi32, #tpu.memory_space<vmem>>)
        tpu.yield
      }) : () -> ()
      %add3A_240 = arith.constant 64 : i32
      %add3A_241 = arith.addi %while3A_37, %add3A_240 : i32
      %min3A = arith.constant 4096 : i32
      %min3A_242 = arith.minsi %add3A_241, %min3A : i32
      %while3A_243 = arith.constant 1 : i32
      %while3A_244:2 = scf.while (%while3A_263 = %while3A_37, %while3A_264 = %while3A_243) : (i32, i32) -> (i32, i32) {
        %ne3A = arith.constant 0 : i32
        %ne3A_265 = arith.cmpi ne, %while3A_264, %ne3A : i32
        scf.condition(%ne3A_265) %while3A_263, %while3A_264 : i32, i32
      } do {
      ^bb0(%while3A_263: i32, %while3A_264: i32):
        %add3A_265 = vector.broadcast %while3A_263 : i32 to vector<16xi32>
        %add3A_266 = arith.addi %add3A_265, %iota3A : vector<16xi32>
        %lt3A_267 = vector.broadcast %min3A_242 : i32 to vector<16xi32>
        %lt3A_268 = arith.cmpi slt, %add3A_266, %lt3A_267 : vector<16xi32>
        %and3A_269 = arith.constant 63 : i32
        %and3A_270 = vector.broadcast %and3A_269 : i32 to vector<16xi32>
        %and3A_271 = arith.andi %add3A_266, %and3A_270 : vector<16xi32>
        %shift_right_logical3A = arith.constant 2 : i32
        %shift_right_logical3A_272 = vector.broadcast %shift_right_logical3A : i32 to vector<16xi32>
        %shift_right_logical3A_273 = arith.shrui %and3A_271, %shift_right_logical3A_272 : vector<16xi32>
        %and3A_274 = arith.constant 3 : i32
        %and3A_275 = vector.broadcast %and3A_274 : i32 to vector<16xi32>
        %and3A_276 = arith.andi %and3A_271, %and3A_275 : vector<16xi32>
        %gather3A_277 = tpu.vector_load_idx %arg12[%shift_right_logical3A_273, %and3A_276] masked %lt3A_268 : memref<16x16xi32, #tpu.memory_space<vmem>>[vector<16xi32>, vector<16xi32>], vector<16xi32>, vector<16xi1>
        %gather3A_278 = tpu.vector_load_idx %arg6[%gather3A_277] masked %lt3A_268 : memref<4096xi32, #tpu.memory_space<vmem>>[vector<16xi32>], vector<16xi32>, vector<16xi1>
        tpu.vector_store_idx %arg7[%gather3A_277], %iota3A masked %lt3A_268 : memref<4096xi32, #tpu.memory_space<vmem>>[vector<16xi32>], vector<16xi32>, vector<16xi1>
        %gather3A_279 = tpu.vector_load_idx %arg7[%gather3A_277] masked %lt3A_268 : memref<4096xi32, #tpu.memory_space<vmem>>[vector<16xi32>], vector<16xi32>, vector<16xi1>
        %ne3A = arith.cmpi ne, %gather3A_279, %iota3A : vector<16xi32>
        %slice3A_280 = vector.extract_strided_slice %gather3A_277 {offsets = [0], sizes = [1], strides = [1]} : vector<16xi32> to vector<1xi32>
        %squeeze3A_281 = vector.extract %slice3A_280[0] : i32 from vector<1xi32>
        %eq3A_282 = vector.broadcast %squeeze3A_281 : i32 to vector<16xi32>
        %eq3A_283 = arith.cmpi eq, %gather3A_277, %eq3A_282 : vector<16xi32>
        %gt3A = arith.constant 0 : i32
        %gt3A_284 = vector.broadcast %gt3A : i32 to vector<16xi32>
        %gt3A_285 = arith.cmpi sgt, %iota3A, %gt3A_284 : vector<16xi32>
        %and3A_286 = arith.andi %eq3A_283, %gt3A_285 : vector<16xi1>
        %ne3A_287 = arith.constant 0 : i32
        %ne3A_288 = vector.broadcast %ne3A_287 : i32 to vector<16xi32>
        %ne3A_289 = arith.cmpi ne, %gather3A_278, %ne3A_288 : vector<16xi32>
        %or3A = arith.ori %ne3A, %and3A_286 : vector<16xi1>
        %or3A_290 = arith.ori %ne3A_289, %or3A : vector<16xi1>
        %and3A_291 = arith.andi %or3A_290, %lt3A_268 : vector<16xi1>
        %gt3A_292 = arith.constant 0 : i32
        %gt3A_293 = vector.broadcast %gt3A_292 : i32 to vector<16xi32>
        %gt3A_294 = arith.cmpi sgt, %iota3A, %gt3A_293 : vector<16xi32>
        %gt3A_295 = arith.cmpi sgt, %while3A_263, %while3A_37 : i32
        %or3A_296 = vector.broadcast %gt3A_295 : i1 to vector<16xi1>
        %or3A_297 = arith.ori %gt3A_294, %or3A_296 : vector<16xi1>
        %and3A_298 = arith.andi %and3A_291, %or3A_297 : vector<16xi1>
        %jit3A = arith.constant 16 : i32
        %broadcast_in_dim3A_299 = vector.broadcast %jit3A : i32 to vector<16xi32>
        %select_n3A = arith.select %and3A_298, %iota3A, %broadcast_in_dim3A_299 : vector<16xi1>, vector<16xi32>
        %reduce_min3A = arith.constant true
        %reduce_min3A_300 = vector.broadcast %reduce_min3A : i1 to vector<16xi1>
        %reduce_min3A_301 = arith.constant -2147483648 : i32
        %reduce_min3A_302 = vector.broadcast %reduce_min3A_301 : i32 to vector<16xi32>
        %reduce_min3A_303 = arith.xori %select_n3A, %reduce_min3A_302 : vector<16xi32>
        %reduce_min3A_304 = tpu.scan <min>, %reduce_min3A_303 masked %reduce_min3A_300 : vector<16xi32>, vector<16xi1> -> vector<16xi32>
        %reduce_min3A_305 = arith.xori %reduce_min3A_304, %reduce_min3A_302 : vector<16xi32>
        %reduce_min3A_306 = vector.extract %reduce_min3A_305[15] : i32 from vector<16xi32>
        %lt3A_307 = vector.broadcast %reduce_min3A_306 : i32 to vector<16xi32>
        %lt3A_308 = arith.cmpi slt, %iota3A, %lt3A_307 : vector<16xi32>
        %and3A_309 = arith.andi %lt3A_308, %lt3A_268 : vector<16xi1>
        tpu.vector_store_idx %arg6[%gather3A_277], %broadcast_in_dim3A_34 masked %and3A_309 : memref<4096xi32, #tpu.memory_space<vmem>>[vector<16xi32>], vector<16xi32>, vector<16xi1>
        %broadcast_in_dim3A_310 = arith.constant 0 : i32
        %broadcast_in_dim3A_311 = vector.broadcast %broadcast_in_dim3A_310 : i32 to vector<16xi32>
        %shift_right_logical3A_312 = arith.constant 4 : i32
        %shift_right_logical3A_313 = vector.broadcast %shift_right_logical3A_312 : i32 to vector<16xi32>
        %shift_right_logical3A_314 = arith.shrui %gather3A_277, %shift_right_logical3A_313 : vector<16xi32>
        %gather3A_315 = tpu.vector_load_idx %arg9[%broadcast_in_dim3A_311, %shift_right_logical3A_314] masked %and3A_309 : memref<4x256xi32, #tpu.memory_space<vmem>>[vector<16xi32>, vector<16xi32>], vector<16xi32>, vector<16xi1>
        %eq3A_316 = arith.cmpi eq, %gather3A_315, %gather3A_277 : vector<16xi32>
        %and3A_317 = arith.andi %eq3A_316, %and3A_309 : vector<16xi1>
        %jit3A_318 = arith.constant -1 : i32
        %broadcast_in_dim3A_319 = vector.broadcast %jit3A_318 : i32 to vector<16xi32>
        %select_n3A_320 = arith.select %and3A_317, %gather3A_277, %broadcast_in_dim3A_319 : vector<16xi1>, vector<16xi32>
        %reduce_max3A_321 = arith.constant true
        %reduce_max3A_322 = vector.broadcast %reduce_max3A_321 : i1 to vector<16xi1>
        %reduce_max3A_323 = arith.constant -2147483648 : i32
        %reduce_max3A_324 = vector.broadcast %reduce_max3A_323 : i32 to vector<16xi32>
        %reduce_max3A_325 = arith.xori %select_n3A_320, %reduce_max3A_324 : vector<16xi32>
        %reduce_max3A_326 = tpu.scan <max>, %reduce_max3A_325 masked %reduce_max3A_322 : vector<16xi32>, vector<16xi1> -> vector<16xi32>
        %reduce_max3A_327 = arith.xori %reduce_max3A_326, %reduce_max3A_324 : vector<16xi32>
        %reduce_max3A_328 = vector.extract %reduce_max3A_327[15] : i32 from vector<16xi32>
        %while3A_329:2 = scf.while (%while3A_401 = %select_n3A_320, %while3A_402 = %reduce_max3A_328) : (vector<16xi32>, i32) -> (vector<16xi32>, i32) {
          %ge3A = arith.constant 0 : i32
          %ge3A_403 = arith.cmpi sge, %while3A_402, %ge3A : i32
          scf.condition(%ge3A_403) %while3A_401, %while3A_402 : vector<16xi32>, i32
        } do {
        ^bb0(%while3A_401: vector<16xi32>, %while3A_402: i32):
          %shift_right_logical3A_403 = arith.constant 4 : i32
          %shift_right_logical3A_404 = arith.shrui %while3A_402, %shift_right_logical3A_403 : i32
          %mul3A_405 = arith.constant 16 : i32
          %mul3A_406 = arith.muli %shift_right_logical3A_404, %mul3A_405 : i32
          %div3A = arith.constant 16 : i32
          %div3A_407 = arith.divsi %shift_right_logical3A_404, %div3A : i32
          %get3A_408 = arith.constant 0 : i32
          %get3A_409 = arith.index_cast %get3A_408 : i32 to index
          %get3A_410 = arith.index_cast %mul3A_406 : i32 to index
          %get3A_411 = tpu.vector_load %arg4[%get3A_409, %get3A_410] {strides = array<i32>} : memref<4x4096xf32, #tpu.memory_space<vmem>>, vector<16xf32>,
          %get3A_412 = arith.index_cast %mul3A_406 : i32 to index
          %get3A_413 = tpu.vector_load %arg6[%get3A_412] {strides = array<i32>} : memref<4096xi32, #tpu.memory_space<vmem>>, vector<16xi32>,
          %mul3A_414 = arith.constant 16 : i32
          %mul3A_415 = arith.muli %div3A_407, %mul3A_414 : i32
          %get3A_416 = arith.constant 0 : i32
          %get3A_417 = arith.index_cast %get3A_416 : i32 to index
          %get3A_418 = arith.index_cast %mul3A_415 : i32 to index
          %get3A_419 = tpu.vector_load %arg8[%get3A_417, %get3A_418] {strides = array<i32>} : memref<4x256xf32, #tpu.memory_space<vmem>>, vector<16xf32>,
          %eq3A_420 = arith.constant 0 : i32
          %eq3A_421 = vector.broadcast %eq3A_420 : i32 to vector<16xi32>
          %eq3A_422 = arith.cmpi eq, %get3A_413, %eq3A_421 : vector<16xi32>
          %jit3A_423 = arith.constant 0xFF800000 : f32
          %broadcast_in_dim3A_424 = vector.broadcast %jit3A_423 : f32 to vector<16xf32>
          %select_n3A_425 = arith.select %eq3A_422, %get3A_411, %broadcast_in_dim3A_424 : vector<16xi1>, vector<16xf32>
          %reduce_max3A_426 = arith.constant true
          %reduce_max3A_427 = vector.broadcast %reduce_max3A_426 : i1 to vector<16xi1>
          %reduce_max3A_428 = tpu.scan <max>, %select_n3A_425 masked %reduce_max3A_427 : vector<16xf32>, vector<16xi1> -> vector<16xf32>
          %reduce_max3A_429 = vector.extract %reduce_max3A_428[15] : f32 from vector<16xf32>
          %rem3A = arith.constant 16 : i32
          %rem3A_430 = arith.remsi %shift_right_logical3A_404, %rem3A : i32
          %eq3A_431 = vector.broadcast %rem3A_430 : i32 to vector<16xi32>
          %eq3A_432 = arith.cmpi eq, %iota3A, %eq3A_431 : vector<16xi32>
          %broadcast_in_dim3A_433 = vector.broadcast %reduce_max3A_429 : f32 to vector<16xf32>
          %select_n3A_434 = arith.select %eq3A_432, %broadcast_in_dim3A_433, %get3A_419 : vector<16xi1>, vector<16xf32>
          %broadcast_in_dim3A_435 = arith.constant 0 : i32
          %broadcast_in_dim3A_436 = vector.broadcast %broadcast_in_dim3A_435 : i32 to vector<16xi32>
          %broadcast_in_dim3A_437 = vector.broadcast %shift_right_logical3A_404 : i32 to vector<16xi32>
          %broadcast_in_dim3A_438 = vector.broadcast %reduce_max3A_429 : f32 to vector<16xf32>
          tpu.vector_store_idx %arg8[%broadcast_in_dim3A_436, %broadcast_in_dim3A_437], %broadcast_in_dim3A_438 masked %eq3A_2 : memref<4x256xf32, #tpu.memory_space<vmem>>[vector<16xi32>, vector<16xi32>], vector<16xf32>, vector<16xi1>
          %eq3A_439 = vector.broadcast %reduce_max3A_429 : f32 to vector<16xf32>
          %eq3A_440 = arith.cmpf oeq, %select_n3A_425, %eq3A_439 : vector<16xf32>
          %all_reduce_ffs3A_441 = tpu.all_reduce %eq3A_440 {dim = 0 : i64, kind = #tpu.reduction_kind<find_first_set>} : vector<16xi1> -> vector<16xi32>
          %reduce_max3A_442 = arith.constant true
          %reduce_max3A_443 = vector.broadcast %reduce_max3A_442 : i1 to vector<16xi1>
          %reduce_max3A_444 = arith.constant -2147483648 : i32
          %reduce_max3A_445 = vector.broadcast %reduce_max3A_444 : i32 to vector<16xi32>
          %reduce_max3A_446 = arith.xori %all_reduce_ffs3A_441, %reduce_max3A_445 : vector<16xi32>
          %reduce_max3A_447 = tpu.scan <max>, %reduce_max3A_446 masked %reduce_max3A_443 : vector<16xi32>, vector<16xi1> -> vector<16xi32>
          %reduce_max3A_448 = arith.xori %reduce_max3A_447, %reduce_max3A_445 : vector<16xi32>
          %reduce_max3A_449 = vector.extract %reduce_max3A_448[15] : i32 from vector<16xi32>
          %add3A_450 = arith.addi %mul3A_406, %reduce_max3A_449 : i32
          %broadcast_in_dim3A_451 = arith.constant 0 : i32
          %broadcast_in_dim3A_452 = vector.broadcast %broadcast_in_dim3A_451 : i32 to vector<16xi32>
          %broadcast_in_dim3A_453 = vector.broadcast %shift_right_logical3A_404 : i32 to vector<16xi32>
          %broadcast_in_dim3A_454 = vector.broadcast %add3A_450 : i32 to vector<16xi32>
          tpu.vector_store_idx %arg9[%broadcast_in_dim3A_452, %broadcast_in_dim3A_453], %broadcast_in_dim3A_454 masked %eq3A_2 : memref<4x256xi32, #tpu.memory_space<vmem>>[vector<16xi32>, vector<16xi32>], vector<16xi32>, vector<16xi1>
          %reduce_max3A_455 = arith.constant true
          %reduce_max3A_456 = vector.broadcast %reduce_max3A_455 : i1 to vector<16xi1>
          %reduce_max3A_457 = tpu.scan <max>, %select_n3A_434 masked %reduce_max3A_456 : vector<16xf32>, vector<16xi1> -> vector<16xf32>
          %reduce_max3A_458 = vector.extract %reduce_max3A_457[15] : f32 from vector<16xf32>
          %broadcast_in_dim3A_459 = arith.constant 0 : i32
          %broadcast_in_dim3A_460 = vector.broadcast %broadcast_in_dim3A_459 : i32 to vector<16xi32>
          %broadcast_in_dim3A_461 = vector.broadcast %div3A_407 : i32 to vector<16xi32>
          %broadcast_in_dim3A_462 = vector.broadcast %reduce_max3A_458 : f32 to vector<16xf32>
          tpu.vector_store_idx %arg10[%broadcast_in_dim3A_460, %broadcast_in_dim3A_461], %broadcast_in_dim3A_462 masked %eq3A_2 : memref<4x16xf32, #tpu.memory_space<vmem>>[vector<16xi32>, vector<16xi32>], vector<16xf32>, vector<16xi1>
          %eq3A_463 = vector.broadcast %while3A_402 : i32 to vector<16xi32>
          %eq3A_464 = arith.cmpi eq, %while3A_401, %eq3A_463 : vector<16xi32>
          %jit3A_465 = arith.constant -1 : i32
          %broadcast_in_dim3A_466 = vector.broadcast %jit3A_465 : i32 to vector<16xi32>
          %select_n3A_467 = arith.select %eq3A_464, %broadcast_in_dim3A_466, %while3A_401 : vector<16xi1>, vector<16xi32>
          %reduce_max3A_468 = arith.constant true
          %reduce_max3A_469 = vector.broadcast %reduce_max3A_468 : i1 to vector<16xi1>
          %reduce_max3A_470 = arith.constant -2147483648 : i32
          %reduce_max3A_471 = vector.broadcast %reduce_max3A_470 : i32 to vector<16xi32>
          %reduce_max3A_472 = arith.xori %select_n3A_467, %reduce_max3A_471 : vector<16xi32>
          %reduce_max3A_473 = tpu.scan <max>, %reduce_max3A_472 masked %reduce_max3A_469 : vector<16xi32>, vector<16xi1> -> vector<16xi32>
          %reduce_max3A_474 = arith.xori %reduce_max3A_473, %reduce_max3A_471 : vector<16xi32>
          %reduce_max3A_475 = vector.extract %reduce_max3A_474[15] : i32 from vector<16xi32>
          scf.yield %select_n3A_467, %reduce_max3A_475 : vector<16xi32>, i32
        }
        %broadcast_in_dim3A_330 = arith.constant 1 : i32
        %broadcast_in_dim3A_331 = vector.broadcast %broadcast_in_dim3A_330 : i32 to vector<16xi32>
        %shift_right_logical3A_332 = arith.constant 4 : i32
        %shift_right_logical3A_333 = vector.broadcast %shift_right_logical3A_332 : i32 to vector<16xi32>
        %shift_right_logical3A_334 = arith.shrui %gather3A_277, %shift_right_logical3A_333 : vector<16xi32>
        %gather3A_335 = tpu.vector_load_idx %arg9[%broadcast_in_dim3A_331, %shift_right_logical3A_334] masked %and3A_309 : memref<4x256xi32, #tpu.memory_space<vmem>>[vector<16xi32>, vector<16xi32>], vector<16xi32>, vector<16xi1>
        %eq3A_336 = arith.cmpi eq, %gather3A_335, %gather3A_277 : vector<16xi32>
        %and3A_337 = arith.andi %eq3A_336, %and3A_309 : vector<16xi1>
        %jit3A_338 = arith.constant -1 : i32
        %broadcast_in_dim3A_339 = vector.broadcast %jit3A_338 : i32 to vector<16xi32>
        %select_n3A_340 = arith.select %and3A_337, %gather3A_277, %broadcast_in_dim3A_339 : vector<16xi1>, vector<16xi32>
        %reduce_max3A_341 = arith.constant true
        %reduce_max3A_342 = vector.broadcast %reduce_max3A_341 : i1 to vector<16xi1>
        %reduce_max3A_343 = arith.constant -2147483648 : i32
        %reduce_max3A_344 = vector.broadcast %reduce_max3A_343 : i32 to vector<16xi32>
        %reduce_max3A_345 = arith.xori %select_n3A_340, %reduce_max3A_344 : vector<16xi32>
        %reduce_max3A_346 = tpu.scan <max>, %reduce_max3A_345 masked %reduce_max3A_342 : vector<16xi32>, vector<16xi1> -> vector<16xi32>
        %reduce_max3A_347 = arith.xori %reduce_max3A_346, %reduce_max3A_344 : vector<16xi32>
        %reduce_max3A_348 = vector.extract %reduce_max3A_347[15] : i32 from vector<16xi32>
        %while3A_349:2 = scf.while (%while3A_401 = %select_n3A_340, %while3A_402 = %reduce_max3A_348) : (vector<16xi32>, i32) -> (vector<16xi32>, i32) {
          %ge3A = arith.constant 0 : i32
          %ge3A_403 = arith.cmpi sge, %while3A_402, %ge3A : i32
          scf.condition(%ge3A_403) %while3A_401, %while3A_402 : vector<16xi32>, i32
        } do {
        ^bb0(%while3A_401: vector<16xi32>, %while3A_402: i32):
          %shift_right_logical3A_403 = arith.constant 4 : i32
          %shift_right_logical3A_404 = arith.shrui %while3A_402, %shift_right_logical3A_403 : i32
          %mul3A_405 = arith.constant 16 : i32
          %mul3A_406 = arith.muli %shift_right_logical3A_404, %mul3A_405 : i32
          %div3A = arith.constant 16 : i32
          %div3A_407 = arith.divsi %shift_right_logical3A_404, %div3A : i32
          %get3A_408 = arith.constant 1 : i32
          %get3A_409 = arith.index_cast %get3A_408 : i32 to index
          %get3A_410 = arith.index_cast %mul3A_406 : i32 to index
          %get3A_411 = tpu.vector_load %arg4[%get3A_409, %get3A_410] {strides = array<i32>} : memref<4x4096xf32, #tpu.memory_space<vmem>>, vector<16xf32>,
          %get3A_412 = arith.index_cast %mul3A_406 : i32 to index
          %get3A_413 = tpu.vector_load %arg6[%get3A_412] {strides = array<i32>} : memref<4096xi32, #tpu.memory_space<vmem>>, vector<16xi32>,
          %mul3A_414 = arith.constant 16 : i32
          %mul3A_415 = arith.muli %div3A_407, %mul3A_414 : i32
          %get3A_416 = arith.constant 1 : i32
          %get3A_417 = arith.index_cast %get3A_416 : i32 to index
          %get3A_418 = arith.index_cast %mul3A_415 : i32 to index
          %get3A_419 = tpu.vector_load %arg8[%get3A_417, %get3A_418] {strides = array<i32>} : memref<4x256xf32, #tpu.memory_space<vmem>>, vector<16xf32>,
          %eq3A_420 = arith.constant 0 : i32
          %eq3A_421 = vector.broadcast %eq3A_420 : i32 to vector<16xi32>
          %eq3A_422 = arith.cmpi eq, %get3A_413, %eq3A_421 : vector<16xi32>
          %jit3A_423 = arith.constant 0xFF800000 : f32
          %broadcast_in_dim3A_424 = vector.broadcast %jit3A_423 : f32 to vector<16xf32>
          %select_n3A_425 = arith.select %eq3A_422, %get3A_411, %broadcast_in_dim3A_424 : vector<16xi1>, vector<16xf32>
          %reduce_max3A_426 = arith.constant true
          %reduce_max3A_427 = vector.broadcast %reduce_max3A_426 : i1 to vector<16xi1>
          %reduce_max3A_428 = tpu.scan <max>, %select_n3A_425 masked %reduce_max3A_427 : vector<16xf32>, vector<16xi1> -> vector<16xf32>
          %reduce_max3A_429 = vector.extract %reduce_max3A_428[15] : f32 from vector<16xf32>
          %rem3A = arith.constant 16 : i32
          %rem3A_430 = arith.remsi %shift_right_logical3A_404, %rem3A : i32
          %eq3A_431 = vector.broadcast %rem3A_430 : i32 to vector<16xi32>
          %eq3A_432 = arith.cmpi eq, %iota3A, %eq3A_431 : vector<16xi32>
          %broadcast_in_dim3A_433 = vector.broadcast %reduce_max3A_429 : f32 to vector<16xf32>
          %select_n3A_434 = arith.select %eq3A_432, %broadcast_in_dim3A_433, %get3A_419 : vector<16xi1>, vector<16xf32>
          %broadcast_in_dim3A_435 = arith.constant 1 : i32
          %broadcast_in_dim3A_436 = vector.broadcast %broadcast_in_dim3A_435 : i32 to vector<16xi32>
          %broadcast_in_dim3A_437 = vector.broadcast %shift_right_logical3A_404 : i32 to vector<16xi32>
          %broadcast_in_dim3A_438 = vector.broadcast %reduce_max3A_429 : f32 to vector<16xf32>
          tpu.vector_store_idx %arg8[%broadcast_in_dim3A_436, %broadcast_in_dim3A_437], %broadcast_in_dim3A_438 masked %eq3A_2 : memref<4x256xf32, #tpu.memory_space<vmem>>[vector<16xi32>, vector<16xi32>], vector<16xf32>, vector<16xi1>
          %eq3A_439 = vector.broadcast %reduce_max3A_429 : f32 to vector<16xf32>
          %eq3A_440 = arith.cmpf oeq, %select_n3A_425, %eq3A_439 : vector<16xf32>
          %all_reduce_ffs3A_441 = tpu.all_reduce %eq3A_440 {dim = 0 : i64, kind = #tpu.reduction_kind<find_first_set>} : vector<16xi1> -> vector<16xi32>
          %reduce_max3A_442 = arith.constant true
          %reduce_max3A_443 = vector.broadcast %reduce_max3A_442 : i1 to vector<16xi1>
          %reduce_max3A_444 = arith.constant -2147483648 : i32
          %reduce_max3A_445 = vector.broadcast %reduce_max3A_444 : i32 to vector<16xi32>
          %reduce_max3A_446 = arith.xori %all_reduce_ffs3A_441, %reduce_max3A_445 : vector<16xi32>
          %reduce_max3A_447 = tpu.scan <max>, %reduce_max3A_446 masked %reduce_max3A_443 : vector<16xi32>, vector<16xi1> -> vector<16xi32>
          %reduce_max3A_448 = arith.xori %reduce_max3A_447, %reduce_max3A_445 : vector<16xi32>
          %reduce_max3A_449 = vector.extract %reduce_max3A_448[15] : i32 from vector<16xi32>
          %add3A_450 = arith.addi %mul3A_406, %reduce_max3A_449 : i32
          %broadcast_in_dim3A_451 = arith.constant 1 : i32
          %broadcast_in_dim3A_452 = vector.broadcast %broadcast_in_dim3A_451 : i32 to vector<16xi32>
          %broadcast_in_dim3A_453 = vector.broadcast %shift_right_logical3A_404 : i32 to vector<16xi32>
          %broadcast_in_dim3A_454 = vector.broadcast %add3A_450 : i32 to vector<16xi32>
          tpu.vector_store_idx %arg9[%broadcast_in_dim3A_452, %broadcast_in_dim3A_453], %broadcast_in_dim3A_454 masked %eq3A_2 : memref<4x256xi32, #tpu.memory_space<vmem>>[vector<16xi32>, vector<16xi32>], vector<16xi32>, vector<16xi1>
          %reduce_max3A_455 = arith.constant true
          %reduce_max3A_456 = vector.broadcast %reduce_max3A_455 : i1 to vector<16xi1>
          %reduce_max3A_457 = tpu.scan <max>, %select_n3A_434 masked %reduce_max3A_456 : vector<16xf32>, vector<16xi1> -> vector<16xf32>
          %reduce_max3A_458 = vector.extract %reduce_max3A_457[15] : f32 from vector<16xf32>
          %broadcast_in_dim3A_459 = arith.constant 1 : i32
          %broadcast_in_dim3A_460 = vector.broadcast %broadcast_in_dim3A_459 : i32 to vector<16xi32>
          %broadcast_in_dim3A_461 = vector.broadcast %div3A_407 : i32 to vector<16xi32>
          %broadcast_in_dim3A_462 = vector.broadcast %reduce_max3A_458 : f32 to vector<16xf32>
          tpu.vector_store_idx %arg10[%broadcast_in_dim3A_460, %broadcast_in_dim3A_461], %broadcast_in_dim3A_462 masked %eq3A_2 : memref<4x16xf32, #tpu.memory_space<vmem>>[vector<16xi32>, vector<16xi32>], vector<16xf32>, vector<16xi1>
          %eq3A_463 = vector.broadcast %while3A_402 : i32 to vector<16xi32>
          %eq3A_464 = arith.cmpi eq, %while3A_401, %eq3A_463 : vector<16xi32>
          %jit3A_465 = arith.constant -1 : i32
          %broadcast_in_dim3A_466 = vector.broadcast %jit3A_465 : i32 to vector<16xi32>
          %select_n3A_467 = arith.select %eq3A_464, %broadcast_in_dim3A_466, %while3A_401 : vector<16xi1>, vector<16xi32>
          %reduce_max3A_468 = arith.constant true
          %reduce_max3A_469 = vector.broadcast %reduce_max3A_468 : i1 to vector<16xi1>
          %reduce_max3A_470 = arith.constant -2147483648 : i32
          %reduce_max3A_471 = vector.broadcast %reduce_max3A_470 : i32 to vector<16xi32>
          %reduce_max3A_472 = arith.xori %select_n3A_467, %reduce_max3A_471 : vector<16xi32>
          %reduce_max3A_473 = tpu.scan <max>, %reduce_max3A_472 masked %reduce_max3A_469 : vector<16xi32>, vector<16xi1> -> vector<16xi32>
          %reduce_max3A_474 = arith.xori %reduce_max3A_473, %reduce_max3A_471 : vector<16xi32>
          %reduce_max3A_475 = vector.extract %reduce_max3A_474[15] : i32 from vector<16xi32>
          scf.yield %select_n3A_467, %reduce_max3A_475 : vector<16xi32>, i32
        }
        %broadcast_in_dim3A_350 = arith.constant 2 : i32
        %broadcast_in_dim3A_351 = vector.broadcast %broadcast_in_dim3A_350 : i32 to vector<16xi32>
        %shift_right_logical3A_352 = arith.constant 4 : i32
        %shift_right_logical3A_353 = vector.broadcast %shift_right_logical3A_352 : i32 to vector<16xi32>
        %shift_right_logical3A_354 = arith.shrui %gather3A_277, %shift_right_logical3A_353 : vector<16xi32>
        %gather3A_355 = tpu.vector_load_idx %arg9[%broadcast_in_dim3A_351, %shift_right_logical3A_354] masked %and3A_309 : memref<4x256xi32, #tpu.memory_space<vmem>>[vector<16xi32>, vector<16xi32>], vector<16xi32>, vector<16xi1>
        %eq3A_356 = arith.cmpi eq, %gather3A_355, %gather3A_277 : vector<16xi32>
        %and3A_357 = arith.andi %eq3A_356, %and3A_309 : vector<16xi1>
        %jit3A_358 = arith.constant -1 : i32
        %broadcast_in_dim3A_359 = vector.broadcast %jit3A_358 : i32 to vector<16xi32>
        %select_n3A_360 = arith.select %and3A_357, %gather3A_277, %broadcast_in_dim3A_359 : vector<16xi1>, vector<16xi32>
        %reduce_max3A_361 = arith.constant true
        %reduce_max3A_362 = vector.broadcast %reduce_max3A_361 : i1 to vector<16xi1>
        %reduce_max3A_363 = arith.constant -2147483648 : i32
        %reduce_max3A_364 = vector.broadcast %reduce_max3A_363 : i32 to vector<16xi32>
        %reduce_max3A_365 = arith.xori %select_n3A_360, %reduce_max3A_364 : vector<16xi32>
        %reduce_max3A_366 = tpu.scan <max>, %reduce_max3A_365 masked %reduce_max3A_362 : vector<16xi32>, vector<16xi1> -> vector<16xi32>
        %reduce_max3A_367 = arith.xori %reduce_max3A_366, %reduce_max3A_364 : vector<16xi32>
        %reduce_max3A_368 = vector.extract %reduce_max3A_367[15] : i32 from vector<16xi32>
        %while3A_369:2 = scf.while (%while3A_401 = %select_n3A_360, %while3A_402 = %reduce_max3A_368) : (vector<16xi32>, i32) -> (vector<16xi32>, i32) {
          %ge3A = arith.constant 0 : i32
          %ge3A_403 = arith.cmpi sge, %while3A_402, %ge3A : i32
          scf.condition(%ge3A_403) %while3A_401, %while3A_402 : vector<16xi32>, i32
        } do {
        ^bb0(%while3A_401: vector<16xi32>, %while3A_402: i32):
          %shift_right_logical3A_403 = arith.constant 4 : i32
          %shift_right_logical3A_404 = arith.shrui %while3A_402, %shift_right_logical3A_403 : i32
          %mul3A_405 = arith.constant 16 : i32
          %mul3A_406 = arith.muli %shift_right_logical3A_404, %mul3A_405 : i32
          %div3A = arith.constant 16 : i32
          %div3A_407 = arith.divsi %shift_right_logical3A_404, %div3A : i32
          %get3A_408 = arith.constant 2 : i32
          %get3A_409 = arith.index_cast %get3A_408 : i32 to index
          %get3A_410 = arith.index_cast %mul3A_406 : i32 to index
          %get3A_411 = tpu.vector_load %arg4[%get3A_409, %get3A_410] {strides = array<i32>} : memref<4x4096xf32, #tpu.memory_space<vmem>>, vector<16xf32>,
          %get3A_412 = arith.index_cast %mul3A_406 : i32 to index
          %get3A_413 = tpu.vector_load %arg6[%get3A_412] {strides = array<i32>} : memref<4096xi32, #tpu.memory_space<vmem>>, vector<16xi32>,
          %mul3A_414 = arith.constant 16 : i32
          %mul3A_415 = arith.muli %div3A_407, %mul3A_414 : i32
          %get3A_416 = arith.constant 2 : i32
          %get3A_417 = arith.index_cast %get3A_416 : i32 to index
          %get3A_418 = arith.index_cast %mul3A_415 : i32 to index
          %get3A_419 = tpu.vector_load %arg8[%get3A_417, %get3A_418] {strides = array<i32>} : memref<4x256xf32, #tpu.memory_space<vmem>>, vector<16xf32>,
          %eq3A_420 = arith.constant 0 : i32
          %eq3A_421 = vector.broadcast %eq3A_420 : i32 to vector<16xi32>
          %eq3A_422 = arith.cmpi eq, %get3A_413, %eq3A_421 : vector<16xi32>
          %jit3A_423 = arith.constant 0xFF800000 : f32
          %broadcast_in_dim3A_424 = vector.broadcast %jit3A_423 : f32 to vector<16xf32>
          %select_n3A_425 = arith.select %eq3A_422, %get3A_411, %broadcast_in_dim3A_424 : vector<16xi1>, vector<16xf32>
          %reduce_max3A_426 = arith.constant true
          %reduce_max3A_427 = vector.broadcast %reduce_max3A_426 : i1 to vector<16xi1>
          %reduce_max3A_428 = tpu.scan <max>, %select_n3A_425 masked %reduce_max3A_427 : vector<16xf32>, vector<16xi1> -> vector<16xf32>
          %reduce_max3A_429 = vector.extract %reduce_max3A_428[15] : f32 from vector<16xf32>
          %rem3A = arith.constant 16 : i32
          %rem3A_430 = arith.remsi %shift_right_logical3A_404, %rem3A : i32
          %eq3A_431 = vector.broadcast %rem3A_430 : i32 to vector<16xi32>
          %eq3A_432 = arith.cmpi eq, %iota3A, %eq3A_431 : vector<16xi32>
          %broadcast_in_dim3A_433 = vector.broadcast %reduce_max3A_429 : f32 to vector<16xf32>
          %select_n3A_434 = arith.select %eq3A_432, %broadcast_in_dim3A_433, %get3A_419 : vector<16xi1>, vector<16xf32>
          %broadcast_in_dim3A_435 = arith.constant 2 : i32
          %broadcast_in_dim3A_436 = vector.broadcast %broadcast_in_dim3A_435 : i32 to vector<16xi32>
          %broadcast_in_dim3A_437 = vector.broadcast %shift_right_logical3A_404 : i32 to vector<16xi32>
          %broadcast_in_dim3A_438 = vector.broadcast %reduce_max3A_429 : f32 to vector<16xf32>
          tpu.vector_store_idx %arg8[%broadcast_in_dim3A_436, %broadcast_in_dim3A_437], %broadcast_in_dim3A_438 masked %eq3A_2 : memref<4x256xf32, #tpu.memory_space<vmem>>[vector<16xi32>, vector<16xi32>], vector<16xf32>, vector<16xi1>
          %eq3A_439 = vector.broadcast %reduce_max3A_429 : f32 to vector<16xf32>
          %eq3A_440 = arith.cmpf oeq, %select_n3A_425, %eq3A_439 : vector<16xf32>
          %all_reduce_ffs3A_441 = tpu.all_reduce %eq3A_440 {dim = 0 : i64, kind = #tpu.reduction_kind<find_first_set>} : vector<16xi1> -> vector<16xi32>
          %reduce_max3A_442 = arith.constant true
          %reduce_max3A_443 = vector.broadcast %reduce_max3A_442 : i1 to vector<16xi1>
          %reduce_max3A_444 = arith.constant -2147483648 : i32
          %reduce_max3A_445 = vector.broadcast %reduce_max3A_444 : i32 to vector<16xi32>
          %reduce_max3A_446 = arith.xori %all_reduce_ffs3A_441, %reduce_max3A_445 : vector<16xi32>
          %reduce_max3A_447 = tpu.scan <max>, %reduce_max3A_446 masked %reduce_max3A_443 : vector<16xi32>, vector<16xi1> -> vector<16xi32>
          %reduce_max3A_448 = arith.xori %reduce_max3A_447, %reduce_max3A_445 : vector<16xi32>
          %reduce_max3A_449 = vector.extract %reduce_max3A_448[15] : i32 from vector<16xi32>
          %add3A_450 = arith.addi %mul3A_406, %reduce_max3A_449 : i32
          %broadcast_in_dim3A_451 = arith.constant 2 : i32
          %broadcast_in_dim3A_452 = vector.broadcast %broadcast_in_dim3A_451 : i32 to vector<16xi32>
          %broadcast_in_dim3A_453 = vector.broadcast %shift_right_logical3A_404 : i32 to vector<16xi32>
          %broadcast_in_dim3A_454 = vector.broadcast %add3A_450 : i32 to vector<16xi32>
          tpu.vector_store_idx %arg9[%broadcast_in_dim3A_452, %broadcast_in_dim3A_453], %broadcast_in_dim3A_454 masked %eq3A_2 : memref<4x256xi32, #tpu.memory_space<vmem>>[vector<16xi32>, vector<16xi32>], vector<16xi32>, vector<16xi1>
          %reduce_max3A_455 = arith.constant true
          %reduce_max3A_456 = vector.broadcast %reduce_max3A_455 : i1 to vector<16xi1>
          %reduce_max3A_457 = tpu.scan <max>, %select_n3A_434 masked %reduce_max3A_456 : vector<16xf32>, vector<16xi1> -> vector<16xf32>
          %reduce_max3A_458 = vector.extract %reduce_max3A_457[15] : f32 from vector<16xf32>
          %broadcast_in_dim3A_459 = arith.constant 2 : i32
          %broadcast_in_dim3A_460 = vector.broadcast %broadcast_in_dim3A_459 : i32 to vector<16xi32>
          %broadcast_in_dim3A_461 = vector.broadcast %div3A_407 : i32 to vector<16xi32>
          %broadcast_in_dim3A_462 = vector.broadcast %reduce_max3A_458 : f32 to vector<16xf32>
          tpu.vector_store_idx %arg10[%broadcast_in_dim3A_460, %broadcast_in_dim3A_461], %broadcast_in_dim3A_462 masked %eq3A_2 : memref<4x16xf32, #tpu.memory_space<vmem>>[vector<16xi32>, vector<16xi32>], vector<16xf32>, vector<16xi1>
          %eq3A_463 = vector.broadcast %while3A_402 : i32 to vector<16xi32>
          %eq3A_464 = arith.cmpi eq, %while3A_401, %eq3A_463 : vector<16xi32>
          %jit3A_465 = arith.constant -1 : i32
          %broadcast_in_dim3A_466 = vector.broadcast %jit3A_465 : i32 to vector<16xi32>
          %select_n3A_467 = arith.select %eq3A_464, %broadcast_in_dim3A_466, %while3A_401 : vector<16xi1>, vector<16xi32>
          %reduce_max3A_468 = arith.constant true
          %reduce_max3A_469 = vector.broadcast %reduce_max3A_468 : i1 to vector<16xi1>
          %reduce_max3A_470 = arith.constant -2147483648 : i32
          %reduce_max3A_471 = vector.broadcast %reduce_max3A_470 : i32 to vector<16xi32>
          %reduce_max3A_472 = arith.xori %select_n3A_467, %reduce_max3A_471 : vector<16xi32>
          %reduce_max3A_473 = tpu.scan <max>, %reduce_max3A_472 masked %reduce_max3A_469 : vector<16xi32>, vector<16xi1> -> vector<16xi32>
          %reduce_max3A_474 = arith.xori %reduce_max3A_473, %reduce_max3A_471 : vector<16xi32>
          %reduce_max3A_475 = vector.extract %reduce_max3A_474[15] : i32 from vector<16xi32>
          scf.yield %select_n3A_467, %reduce_max3A_475 : vector<16xi32>, i32
        }
        %broadcast_in_dim3A_370 = arith.constant 3 : i32
        %broadcast_in_dim3A_371 = vector.broadcast %broadcast_in_dim3A_370 : i32 to vector<16xi32>
        %shift_right_logical3A_372 = arith.constant 4 : i32
        %shift_right_logical3A_373 = vector.broadcast %shift_right_logical3A_372 : i32 to vector<16xi32>
        %shift_right_logical3A_374 = arith.shrui %gather3A_277, %shift_right_logical3A_373 : vector<16xi32>
        %gather3A_375 = tpu.vector_load_idx %arg9[%broadcast_in_dim3A_371, %shift_right_logical3A_374] masked %and3A_309 : memref<4x256xi32, #tpu.memory_space<vmem>>[vector<16xi32>, vector<16xi32>], vector<16xi32>, vector<16xi1>
        %eq3A_376 = arith.cmpi eq, %gather3A_375, %gather3A_277 : vector<16xi32>
        %and3A_377 = arith.andi %eq3A_376, %and3A_309 : vector<16xi1>
        %jit3A_378 = arith.constant -1 : i32
        %broadcast_in_dim3A_379 = vector.broadcast %jit3A_378 : i32 to vector<16xi32>
        %select_n3A_380 = arith.select %and3A_377, %gather3A_277, %broadcast_in_dim3A_379 : vector<16xi1>, vector<16xi32>
        %reduce_max3A_381 = arith.constant true
        %reduce_max3A_382 = vector.broadcast %reduce_max3A_381 : i1 to vector<16xi1>
        %reduce_max3A_383 = arith.constant -2147483648 : i32
        %reduce_max3A_384 = vector.broadcast %reduce_max3A_383 : i32 to vector<16xi32>
        %reduce_max3A_385 = arith.xori %select_n3A_380, %reduce_max3A_384 : vector<16xi32>
        %reduce_max3A_386 = tpu.scan <max>, %reduce_max3A_385 masked %reduce_max3A_382 : vector<16xi32>, vector<16xi1> -> vector<16xi32>
        %reduce_max3A_387 = arith.xori %reduce_max3A_386, %reduce_max3A_384 : vector<16xi32>
        %reduce_max3A_388 = vector.extract %reduce_max3A_387[15] : i32 from vector<16xi32>
        %while3A_389:2 = scf.while (%while3A_401 = %select_n3A_380, %while3A_402 = %reduce_max3A_388) : (vector<16xi32>, i32) -> (vector<16xi32>, i32) {
          %ge3A = arith.constant 0 : i32
          %ge3A_403 = arith.cmpi sge, %while3A_402, %ge3A : i32
          scf.condition(%ge3A_403) %while3A_401, %while3A_402 : vector<16xi32>, i32
        } do {
        ^bb0(%while3A_401: vector<16xi32>, %while3A_402: i32):
          %shift_right_logical3A_403 = arith.constant 4 : i32
          %shift_right_logical3A_404 = arith.shrui %while3A_402, %shift_right_logical3A_403 : i32
          %mul3A_405 = arith.constant 16 : i32
          %mul3A_406 = arith.muli %shift_right_logical3A_404, %mul3A_405 : i32
          %div3A = arith.constant 16 : i32
          %div3A_407 = arith.divsi %shift_right_logical3A_404, %div3A : i32
          %get3A_408 = arith.constant 3 : i32
          %get3A_409 = arith.index_cast %get3A_408 : i32 to index
          %get3A_410 = arith.index_cast %mul3A_406 : i32 to index
          %get3A_411 = tpu.vector_load %arg4[%get3A_409, %get3A_410] {strides = array<i32>} : memref<4x4096xf32, #tpu.memory_space<vmem>>, vector<16xf32>,
          %get3A_412 = arith.index_cast %mul3A_406 : i32 to index
          %get3A_413 = tpu.vector_load %arg6[%get3A_412] {strides = array<i32>} : memref<4096xi32, #tpu.memory_space<vmem>>, vector<16xi32>,
          %mul3A_414 = arith.constant 16 : i32
          %mul3A_415 = arith.muli %div3A_407, %mul3A_414 : i32
          %get3A_416 = arith.constant 3 : i32
          %get3A_417 = arith.index_cast %get3A_416 : i32 to index
          %get3A_418 = arith.index_cast %mul3A_415 : i32 to index
          %get3A_419 = tpu.vector_load %arg8[%get3A_417, %get3A_418] {strides = array<i32>} : memref<4x256xf32, #tpu.memory_space<vmem>>, vector<16xf32>,
          %eq3A_420 = arith.constant 0 : i32
          %eq3A_421 = vector.broadcast %eq3A_420 : i32 to vector<16xi32>
          %eq3A_422 = arith.cmpi eq, %get3A_413, %eq3A_421 : vector<16xi32>
          %jit3A_423 = arith.constant 0xFF800000 : f32
          %broadcast_in_dim3A_424 = vector.broadcast %jit3A_423 : f32 to vector<16xf32>
          %select_n3A_425 = arith.select %eq3A_422, %get3A_411, %broadcast_in_dim3A_424 : vector<16xi1>, vector<16xf32>
          %reduce_max3A_426 = arith.constant true
          %reduce_max3A_427 = vector.broadcast %reduce_max3A_426 : i1 to vector<16xi1>
          %reduce_max3A_428 = tpu.scan <max>, %select_n3A_425 masked %reduce_max3A_427 : vector<16xf32>, vector<16xi1> -> vector<16xf32>
          %reduce_max3A_429 = vector.extract %reduce_max3A_428[15] : f32 from vector<16xf32>
          %rem3A = arith.constant 16 : i32
          %rem3A_430 = arith.remsi %shift_right_logical3A_404, %rem3A : i32
          %eq3A_431 = vector.broadcast %rem3A_430 : i32 to vector<16xi32>
          %eq3A_432 = arith.cmpi eq, %iota3A, %eq3A_431 : vector<16xi32>
          %broadcast_in_dim3A_433 = vector.broadcast %reduce_max3A_429 : f32 to vector<16xf32>
          %select_n3A_434 = arith.select %eq3A_432, %broadcast_in_dim3A_433, %get3A_419 : vector<16xi1>, vector<16xf32>
          %broadcast_in_dim3A_435 = arith.constant 3 : i32
          %broadcast_in_dim3A_436 = vector.broadcast %broadcast_in_dim3A_435 : i32 to vector<16xi32>
          %broadcast_in_dim3A_437 = vector.broadcast %shift_right_logical3A_404 : i32 to vector<16xi32>
          %broadcast_in_dim3A_438 = vector.broadcast %reduce_max3A_429 : f32 to vector<16xf32>
          tpu.vector_store_idx %arg8[%broadcast_in_dim3A_436, %broadcast_in_dim3A_437], %broadcast_in_dim3A_438 masked %eq3A_2 : memref<4x256xf32, #tpu.memory_space<vmem>>[vector<16xi32>, vector<16xi32>], vector<16xf32>, vector<16xi1>
          %eq3A_439 = vector.broadcast %reduce_max3A_429 : f32 to vector<16xf32>
          %eq3A_440 = arith.cmpf oeq, %select_n3A_425, %eq3A_439 : vector<16xf32>
          %all_reduce_ffs3A_441 = tpu.all_reduce %eq3A_440 {dim = 0 : i64, kind = #tpu.reduction_kind<find_first_set>} : vector<16xi1> -> vector<16xi32>
          %reduce_max3A_442 = arith.constant true
          %reduce_max3A_443 = vector.broadcast %reduce_max3A_442 : i1 to vector<16xi1>
          %reduce_max3A_444 = arith.constant -2147483648 : i32
          %reduce_max3A_445 = vector.broadcast %reduce_max3A_444 : i32 to vector<16xi32>
          %reduce_max3A_446 = arith.xori %all_reduce_ffs3A_441, %reduce_max3A_445 : vector<16xi32>
          %reduce_max3A_447 = tpu.scan <max>, %reduce_max3A_446 masked %reduce_max3A_443 : vector<16xi32>, vector<16xi1> -> vector<16xi32>
          %reduce_max3A_448 = arith.xori %reduce_max3A_447, %reduce_max3A_445 : vector<16xi32>
          %reduce_max3A_449 = vector.extract %reduce_max3A_448[15] : i32 from vector<16xi32>
          %add3A_450 = arith.addi %mul3A_406, %reduce_max3A_449 : i32
          %broadcast_in_dim3A_451 = arith.constant 3 : i32
          %broadcast_in_dim3A_452 = vector.broadcast %broadcast_in_dim3A_451 : i32 to vector<16xi32>
          %broadcast_in_dim3A_453 = vector.broadcast %shift_right_logical3A_404 : i32 to vector<16xi32>
          %broadcast_in_dim3A_454 = vector.broadcast %add3A_450 : i32 to vector<16xi32>
          tpu.vector_store_idx %arg9[%broadcast_in_dim3A_452, %broadcast_in_dim3A_453], %broadcast_in_dim3A_454 masked %eq3A_2 : memref<4x256xi32, #tpu.memory_space<vmem>>[vector<16xi32>, vector<16xi32>], vector<16xi32>, vector<16xi1>
          %reduce_max3A_455 = arith.constant true
          %reduce_max3A_456 = vector.broadcast %reduce_max3A_455 : i1 to vector<16xi1>
          %reduce_max3A_457 = tpu.scan <max>, %select_n3A_434 masked %reduce_max3A_456 : vector<16xf32>, vector<16xi1> -> vector<16xf32>
          %reduce_max3A_458 = vector.extract %reduce_max3A_457[15] : f32 from vector<16xf32>
          %broadcast_in_dim3A_459 = arith.constant 3 : i32
          %broadcast_in_dim3A_460 = vector.broadcast %broadcast_in_dim3A_459 : i32 to vector<16xi32>
          %broadcast_in_dim3A_461 = vector.broadcast %div3A_407 : i32 to vector<16xi32>
          %broadcast_in_dim3A_462 = vector.broadcast %reduce_max3A_458 : f32 to vector<16xf32>
          tpu.vector_store_idx %arg10[%broadcast_in_dim3A_460, %broadcast_in_dim3A_461], %broadcast_in_dim3A_462 masked %eq3A_2 : memref<4x16xf32, #tpu.memory_space<vmem>>[vector<16xi32>, vector<16xi32>], vector<16xf32>, vector<16xi1>
          %eq3A_463 = vector.broadcast %while3A_402 : i32 to vector<16xi32>
          %eq3A_464 = arith.cmpi eq, %while3A_401, %eq3A_463 : vector<16xi32>
          %jit3A_465 = arith.constant -1 : i32
          %broadcast_in_dim3A_466 = vector.broadcast %jit3A_465 : i32 to vector<16xi32>
          %select_n3A_467 = arith.select %eq3A_464, %broadcast_in_dim3A_466, %while3A_401 : vector<16xi1>, vector<16xi32>
          %reduce_max3A_468 = arith.constant true
          %reduce_max3A_469 = vector.broadcast %reduce_max3A_468 : i1 to vector<16xi1>
          %reduce_max3A_470 = arith.constant -2147483648 : i32
          %reduce_max3A_471 = vector.broadcast %reduce_max3A_470 : i32 to vector<16xi32>
          %reduce_max3A_472 = arith.xori %select_n3A_467, %reduce_max3A_471 : vector<16xi32>
          %reduce_max3A_473 = tpu.scan <max>, %reduce_max3A_472 masked %reduce_max3A_469 : vector<16xi32>, vector<16xi1> -> vector<16xi32>
          %reduce_max3A_474 = arith.xori %reduce_max3A_473, %reduce_max3A_471 : vector<16xi32>
          %reduce_max3A_475 = vector.extract %reduce_max3A_474[15] : i32 from vector<16xi32>
          scf.yield %select_n3A_467, %reduce_max3A_475 : vector<16xi32>, i32
        }
        %sub3A_390 = arith.subi %min3A_242, %while3A_263 : i32
        %min3A_391 = arith.minsi %reduce_min3A_306, %sub3A_390 : i32
        %eq3A_392 = arith.constant 16 : i32
        %eq3A_393 = arith.cmpi eq, %reduce_min3A_306, %eq3A_392 : i32
        %add3A_394 = arith.addi %while3A_263, %min3A_391 : i32
        %lt3A_395 = arith.cmpi slt, %add3A_394, %min3A_242 : i32
        %and3A_396 = arith.andi %eq3A_393, %lt3A_395 : i1
        %add3A_397 = arith.addi %while3A_263, %min3A_391 : i32
        %jit3A_398 = arith.constant 1 : i32
        %jit3A_399 = arith.constant 0 : i32
        %select_n3A_400 = arith.select %and3A_396, %jit3A_398, %jit3A_399 : i32
        scf.yield %add3A_397, %select_n3A_400 : i32, i32
      }
      %add3A_245 = vector.broadcast %mul3A_0 : i32 to vector<16xi32>
      %add3A_246 = arith.addi %add3A_245, %iota3A : vector<16xi32>
      %sub3A = vector.broadcast %while3A_37 : i32 to vector<16xi32>
      %sub3A_247 = arith.subi %add3A_246, %sub3A : vector<16xi32>
      %and3A = arith.constant 63 : i32
      %and3A_248 = vector.broadcast %and3A : i32 to vector<16xi32>
      %and3A_249 = arith.andi %sub3A_247, %and3A_248 : vector<16xi32>
      %add3A_250 = vector.broadcast %while3A_37 : i32 to vector<16xi32>
      %add3A_251 = arith.addi %add3A_250, %and3A_249 : vector<16xi32>
      %lt3A = vector.broadcast %while3A_244#0 : i32 to vector<16xi32>
      %lt3A_252 = arith.cmpi slt, %add3A_251, %lt3A : vector<16xi32>
      %lt3A_253 = arith.constant 4 : i32
      %lt3A_254 = vector.broadcast %lt3A_253 : i32 to vector<16xi32>
      %lt3A_255 = arith.cmpi slt, %iota3A, %lt3A_254 : vector<16xi32>
      %and3A_256 = arith.andi %lt3A_252, %lt3A_255 : vector<16xi1>
      %get3A_257 = arith.constant 0 : index
      %get3A_258 = tpu.vector_load %arg11[%get3A_257] {strides = array<i32>} : memref<16xi32, #tpu.memory_space<vmem>>, vector<16xi32>,
      %broadcast_in_dim3A_259 = arith.constant 1.000000e+00 : f32
      %broadcast_in_dim3A_260 = vector.broadcast %broadcast_in_dim3A_259 : f32 to vector<16xf32>
      tpu.vector_store_idx %arg5[%iota3A, %get3A_258], %broadcast_in_dim3A_260 masked %and3A_256 : memref<4x4096xf32, #tpu.memory_space<vmem>>[vector<16xi32>, vector<16xi32>], vector<16xf32>, vector<16xi1>
      %sub3A_261 = arith.constant 1 : i32
      %sub3A_262 = arith.subi %sub3A_261, %while3A_38 : i32
      scf.yield %while3A_244#0, %sub3A_262 : i32, i32
    }
    "tpu.region"() ({
      %run_scoped3A = tpu.sem_alloc : memref<!tpu.dma_semaphore, #tpu.memory_space<semaphore_mem>>
      %dma_start3A = arith.constant 0 : i32
      %dma_start3A_37 = tpu.memref_slice %arg3[%mul3A_0, %dma_start3A] : memref<64x4096xf32, #tpu.memory_space<hbm>> -> memref<4x4096xf32, #tpu.memory_space<hbm>>
      %dma_start3A_38 = arith.constant 0 : i32
      %dma_start3A_39 = tpu.memref_slice %arg3[%mul3A_0, %dma_start3A_38] : memref<64x4096xf32, #tpu.memory_space<hbm>> -> memref<4x4096xf32, #tpu.memory_space<hbm>>
      tpu.enqueue_dma source(%arg5 : memref<4x4096xf32, #tpu.memory_space<vmem>>) target(%dma_start3A_39 : memref<4x4096xf32, #tpu.memory_space<hbm>>) target_semaphore(%run_scoped3A : memref<!tpu.dma_semaphore, #tpu.memory_space<semaphore_mem>>)
      %dma_wait3A = arith.constant 0 : i32
      %dma_wait3A_40 = tpu.memref_slice %arg3[%mul3A_0, %dma_wait3A] : memref<64x4096xf32, #tpu.memory_space<hbm>> -> memref<4x4096xf32, #tpu.memory_space<hbm>>
      %dma_wait3A_41 = arith.constant 0 : i32
      %dma_wait3A_42 = tpu.memref_slice %arg3[%mul3A_0, %dma_wait3A_41] : memref<64x4096xf32, #tpu.memory_space<hbm>> -> memref<4x4096xf32, #tpu.memory_space<hbm>>
      tpu.wait_dma2 semaphore(%run_scoped3A : memref<!tpu.dma_semaphore, #tpu.memory_space<semaphore_mem>>) src(%arg5 : memref<4x4096xf32, #tpu.memory_space<vmem>>) dst(%dma_wait3A_42 : memref<4x4096xf32, #tpu.memory_space<hbm>>)
      tpu.yield
    }) : () -> ()
    return
  }
}

</mosaic_0001>

<sc_bundles>
// kernel: kernel.3.cloned.1.call-start
scs
__scs_entry_jumppad:
0x0: {  	(pc) =	sbr.rel $0x88, $3  }
0x1: {  	(tag) =	ssettag $0x0;
	lr =	simm.s32 $0x1  }
0x2: {  	[smem:$0x3FA0] =	sst lr;
	_ =	strace $0xD0000000  }
0x3: {  	_ = 	snop  }
0x4: {  	_ = 	snop  }
0x5: {  	_ = 	snop  }
0x6: {  	_ = 	snop  }
0x7: {  	_ = 	snop  }
__scs_overlays_trampoline_lowered:
0x8: {  	[smem:$0x3FAF] =	sst s0  }
0x9: {  	[smem:$0x3FB0] =	sst s1  }
0xa: {  	[smem:$0x3FB1] =	sst s2  }
0xb: {  	[smem:$0x3FB2] =	sst s3  }
0xc: {  	[smem:$0x3FB3] =	sst s4  }
0xd: {  	[smem:$0x3FB4] =	sst s5  }
0xe: {  	[smem:$0x3FB5] =	sst s6  }
0xf: {  	[smem:$0x3FB6] =	sst s7  }
0x10: {  	[smem:$0x3FB7] =	sst s8  }
0x11: {  	[smem:$0x3FB8] =	sst s9;
	s0 =	simm.s32 @!p0 $0x0  }
0x12: {  	s1 =	sld [smem:$0x3F9E];
	s0 =	simm.s32 @p0 $0x1  }
0x13: {  	[smem:$0x3FB9] =	sst s0;
	s0 =	simm.s32 @!p1 $0x0  }
0x14: {  	s2 =	sld [smem:$0x3F9D];
	s0 =	simm.s32 @p1 $0x1  }
0x15: {  	[smem:$0x3FBA] =	sst s0;
	s0 =	simm.s32 @!p2 $0x0  }
0x16: {  	s3 =	sld [smem:$0x3FDB];
	s0 =	simm.s32 @p2 $0x1  }
0x17: {  	s4 =	simm.s32 $0x1BF5;
	[smem:$0x3FBC] =	sst s0  }
0x18: {  	s0 =	sld [smem:$0x3F9F];
	_ =	swait.ge [sflag:s4], $0x0  }
0x19: {  	s7 =	sld [smem:$0x3FA0]  }
0x1a: {  	s8 =	sadd.s32 $0xFFFFE003, lr  }
0x1b: {  	s9 =	sadd.s32 $0xFFFFFEF7, lr;
	s5 =	simm.s32 $0xFFFFFFFF;
	p2 =	slt.u32 s8, $0xFFFFF086  }
0x1c: {  	p1 =	slt.u32 s9, $0xF7A;
	s5 =	simm.s32 @!p2 $0x0  }
0x1d: {  	s5 =	simm.s32 @p1 $0x1;
	p0 =	seq.s32 s7, s2  }
0x1e: {  	s7 =	smul.u32 @!p0 $0xF7A, s2;
	p2 =	seq.s32 @!p0 s5, $0x0  }
0x1f: {  	s9 =	smul.u32 $0xF7A, s1;
	s8 =	simm.s32 @!p0 $0x1BF5;
	p2 =	por !p2, p0  }
0x20: {  	[sflag:s8] =	ssyncset.s32 @!p0 $0xFFFFF086;
	s6 =	sadd.s32 @!p0 s3, s7;
	s7 =	simm.s32 @!p0 $0x108  }
0x21: {  	s3 =	sadd.s32 s3, s9;
	s6 =	sadd.s32 @!p0 $0x88, s6;
	s7 =	simm.s32 @p2 $0x1082  }
0x22: {  	[simem:s7], [sflag:s8] =	dma.local @!p0 [hbm:s6], $0xF7A  }
0x23: {  	s9 =	sor.u32 $0xD0000000, s2;
	s6 =	simm.s32 $0x108;
	_ =	swait.ge @!p0 [sflag:s8], $0x0  }
0x24: {  	s3 =	sadd.s32 $0x88, s3;
	s6 =	simm.s32 @!p1 $0x1082;
	[sflag:s4] =	ssyncset.s32 $0xFFFFF086  }
0x25: {  	[simem:s6], [sflag:s4] =	dma.local [hbm:s3], $0xF7A  }
0x26: {  	[smem:$0x3FA0] =	sst s1;
	(tag) =	ssettag s2;
	_ =	strace s9  }
0x27: {  	s1 =	sld [smem:$0x3FB0]  }
0x28: {  	s2 =	sld [smem:$0x3FB1]  }
0x29: {  	s4 =	sld [smem:$0x3FB3]  }
0x2a: {  	p0 =	seq.s32 s5, $0x0;
	s5 =	sld [smem:$0x3FB4]  }
0x2b: {  	s6 =	sld [smem:$0x3FB5]  }
0x2c: {  	s7 =	sld [smem:$0x3FB6]  }
0x2d: {  	s3 =	simm.s32 $0x108;
	s8 =	sld [smem:$0x3FB7]  }
0x2e: {  	s3 =	simm.s32 @!p0 $0x1082;
	s9 =	sld [smem:$0x3FB8]  }
0x2f: {  	lr =	sadd.s32 s0, s3;
	s0 =	sld [smem:$0x3FAF]  }
0x30: {  	s3 =	sld [smem:$0x3FB2]  }
0x31: {  	[smem:$0x3FBB] =	sst s10  }
0x32: {  	s10 =	sld [smem:$0x3FB9];
	_ =	sdelay $0x3  }
0x33: {  	p0 =	seq.s32 s10, $0x1;
	s10 =	sld [smem:$0x3FBB];
	_ =	sdelay $0x3  }
0x34: {  	[smem:$0x3FBB] =	sst s10  }
0x35: {  	s10 =	sld [smem:$0x3FBA];
	_ =	sdelay $0x3  }
0x36: {  	p1 =	seq.s32 s10, $0x1;
	s10 =	sld [smem:$0x3FBB];
	_ =	sdelay $0x3  }
0x37: {  	[smem:$0x3FBB] =	sst s10  }
0x38: {  	s10 =	sld [smem:$0x3FBC]  }
0x39: {  	_ = 	snop;
	(pc) =	sbr.ind lr, $3  }
0x3a: {  	_ = 	snop  }
0x3b: {  	_ = 	snop  }
0x3c: {  	p2 =	seq.s32 s10, $0x1;
	s10 =	sld [smem:$0x3FBB]  }
0x3d: {  	_ =	shalt  }
0x3e: {  	_ =	shalt  }
0x3f: {  	_ =	shalt  }
0x40: {  	_ =	shalt  }
0x41: {  	_ =	shalt  }
0x42: {  	_ =	shalt  }
0x43: {  	_ =	shalt  }
0x44: {  	_ =	shalt  }
0x45: {  	_ =	shalt  }
0x46: {  	_ =	shalt  }
0x47: {  	_ =	shalt  }
0x48: {  	_ =	shalt  }
0x49: {  	_ =	shalt  }
0x4a: {  	_ =	shalt  }
0x4b: {  	_ =	shalt  }
0x4c: {  	_ =	shalt  }
0x4d: {  	_ =	shalt  }
0x4e: {  	_ =	shalt  }
0x4f: {  	_ =	shalt  }
0x50: {  	_ =	shalt  }
0x51: {  	_ =	shalt  }
0x52: {  	_ =	shalt  }
0x53: {  	_ =	shalt  }
0x54: {  	_ =	shalt  }
0x55: {  	_ =	shalt  }
0x56: {  	_ =	shalt  }
0x57: {  	_ =	shalt  }
0x58: {  	_ =	shalt  }
0x59: {  	_ =	shalt  }
0x5a: {  	_ =	shalt  }
0x5b: {  	_ =	shalt  }
0x5c: {  	_ =	shalt  }
0x5d: {  	_ =	shalt  }
0x5e: {  	_ =	shalt  }
0x5f: {  	_ =	shalt  }
0x60: {  	_ =	shalt  }
0x61: {  	_ =	shalt  }
0x62: {  	_ =	shalt  }
0x63: {  	_ =	shalt  }
0x64: {  	_ =	shalt  }
0x65: {  	_ =	shalt  }
0x66: {  	_ =	shalt  }
0x67: {  	_ =	shalt  }
0x68: {  	_ =	shalt  }
0x69: {  	_ =	shalt  }
0x6a: {  	_ =	shalt  }
0x6b: {  	_ =	shalt  }
0x6c: {  	_ =	shalt  }
0x6d: {  	_ =	shalt  }
0x6e: {  	_ =	shalt  }
0x6f: {  	_ =	shalt  }
0x70: {  	_ =	shalt  }
0x71: {  	_ =	shalt  }
0x72: {  	_ =	shalt  }
0x73: {  	_ =	shalt  }
0x74: {  	_ =	shalt  }
0x75: {  	_ =	shalt  }
0x76: {  	_ =	shalt  }
0x77: {  	_ =	shalt  }
0x78: {  	_ =	shalt  }
0x79: {  	_ =	shalt  }
0x7a: {  	_ =	shalt  }
0x7b: {  	_ =	shalt  }
0x7c: {  	_ =	shalt  }
0x7d: {  	_ =	shalt  }
0x7e: {  	_ =	shalt  }
0x7f: {  	_ =	shalt  }
0x80: {  	_ =	shalt  }
0x81: {  	_ =	shalt  }
0x82: {  	_ =	shalt  }
0x83: {  	_ =	shalt  }
0x84: {  	_ =	shalt  }
0x85: {  	_ =	shalt  }
0x86: {  	_ =	shalt  }
0x87: {  	_ =	shalt  }
.Lfunc_end0:
.L_simem_size_0:
called_computation_lowered:
.L_overlay_start_0:
0x88: {  	s0 =	sld [smem:$0x3FD9]  }
0x89: {  	s1 =	sld [smem:$0x3FFE];
	_ =	sdelay $0x3  }
0x8a: {  	s0 =	sadd.s32 s1, s0  }
0x8b: {  	[smem:$0x3FC7] =	sst s0  }
0x8c: {  	_ = 	snop  }
0x8d: {  	s0 =	sld [smem:$0x3FD0];
	(tm) =	ssettm $0x1  }
0x8e: {  	s16 =	sld [smem:$0x3FFB];
	_ =	sdelay $0x3  }
0x8f: {  	_ =	strace s16  }
0x90: {  	s1 =	sld [smem:$0x3FFC];
	_ =	sdelay $0x3  }
0x91: {  	_ =	strace s1  }
0x92: {  	s1 =	sld [smem:$0x3FFD];
	_ =	sdelay $0x3  }
0x93: {  	_ =	strace s1  }
0x94: {  	_ =	strace $0x8FFFFFFF  }
0x95: {  	s17 =	sld [smem:$0x3FDB];
	_ =	sdelay $0x1  }
0x96: {  	s2 =	simm.s32 $_scs_section_size  }
0x97: {  	s3 =	simm.s32 $_size__tile_overlayer_lowered;
	s4 =	simm.s32 $_tile_overlayer_lowered  }
0x98: {  	s20 =	simm.s32 $0x1BFF;
	s19 =	sshll.u32 s4, $0x1;
	s1 =	sadd.s32 s2, s17  }
0x99: {  	s5 =	simm.s32 $0x0;
	s18 =	sshll.u32 s3, $0x1;
	s3 =	sadd.s32 s19, s1  }
0x9a: {  	[timem:s5], [sflag:s20] =	dma.local [hbm:s3], s18  }
0x9b: {  	_ =	swait.ge [sflag:s20], s18  }
0x9c: {  	s2 =	ssub.s32 $0x0, s18;
	[sflag:s20] =	ssyncset.done $0x0  }
0x9d: {  	[sflag:s20] =	ssyncadd.s32 s2;
	_ =	sdelay $0x1  }
0x9e: {  	s21 =	simm.s32 $0x1B8B  }
0x9f: {  	_ =	swait.ge [sflag:s21], $0x1  }
0xa0: {  	[sflag:s21] =	ssyncset.done $0x0  }
0xa1: {  	s23 =	simm.s32 $0x1B8E;
	s22 =	sld [smem:$0x3FFE];
	[sflag:s21] =	ssyncadd.s32 $0xFFFFFFFF  }
0xa2: {  	s24 =	simm.s32 $execute0_lowered;
	[smem:$0x3FD2] =	sst s23  }
0xa3: {  	s3 =	sshll.u32 s24, $0x1;
	_ =	strace $0x80000046;
	[dreg:$0x1] =	wrdreg $0xFFFFFFFF  }
0xa4: {  	s25 =	simm.s32 $_size_execute0_lowered;
	s1 =	sadd.s32 s1, s3;
	[dreg:$0x0] =	wrdreg $0x0  }
0xa5: {  	s3 =	sshll.u32 s25, $0x1;
	[dreg:$0x2] =	wrdreg s1  }
0xa6: {  	[dreg:$0x3] =	wrdreg s3  }
0xa7: {  	[dreg:$0x4] =	wrdreg $0xC0  }
0xa8: {  	_ =	task [dreg:s5], $0x5FFFF  }
0xa9: {  	[dreg:$0x1] =	wrdreg $0xFFFFFFFF  }
0xaa: {  	[dreg:$0x0] =	wrdreg $0x60  }
0xab: {  	[dreg:$0x2] =	wrdreg s0  }
0xac: {  	[dreg:$0x3] =	wrdreg s22  }
0xad: {  	[dreg:$0x4] =	wrdreg $0xA9500  }
0xae: {  	[dreg:$0x5] =	wrdreg $0x9  }
0xaf: {  	_ =	task.clear_ibuf [dreg:s5], $0x6FFFF;
	_ =	strace $0x90000046  }
0xb0: {  	s26 =	simm.s32 $0x9;
	_ =	strace $0x80000048  }
0xb1: {  	_ =	swait.ge [sflag:s26], $0x1  }
0xb2: {  	[sflag:s26] =	ssyncadd.s32 $0xFFFFFFFF  }
0xb3: {  	_ =	strace $0x90000048  }
0xb4: {  	_ =	sfence  }
0xb5: {  	s28 =	sld [smem:$0x0];
	_ =	sdelay $0x1  }
0xb6: {  	s29 =	srdreg.scid  }
0xb7: {  	s30 =	sshll.u32 s29, $0xD;
	s31 =	sshrl.u32 s29, $0x2  }
0xb8: {  	s2 =	sand.u32 $0x4000, s30;
	s1 =	sand.u32 $0x1, s29;
	s0 =	sadd.s32 s31, s28  }
0xb9: {  	s1 =	sor.u32 s2, s1;
	s0 =	sshll.u32 s0, $0x11  }
0xba: {  	s0 =	sor.u32 s0, s1  }
0xbb: {  	s0 =	sadd.s32 $0x8F2B, s0  }
0xbc: {  	[sflag:s0] =	ssyncadd.remote.s32 $0x1  }
0xbd: {  	_ =	sfence.sel $0xFFFF  }
0xbe: {  	[dreg:$0x0] =	wrdreg $0xFFFFFFFF;
	(pc) =	sbr.abs _section_cstart, $3  }
0xbf: {  	[dreg:$0x1] =	wrdreg $0xFFFFFFFF  }
0xc0: {  	_ =	task.clear_ibuf [dreg:s5], $0x2FFFF;
	_ =	strace $0x9FFFFFFF  }
0xc1: {  	(tm) =	ssettm $0x7FFFFFFF  }
tec
execute0_lowered:
.L_overlay_start_1:
0x0: {  	(tag) =	ssettag $0x1  }
0x1: {  	s4 =	rddreg [dreg:$0x0]  }
0x2: {  	s6 =	rddreg [dreg:$0x1]  }
0x3: {  	s2 =	rddreg [dreg:$0x2]  }
0x4: {  	s0 =	rddreg [dreg:$0x3];
	s5 =	simm.s32 $0x0;
	s1 =	stileid.u32  }
0x5: {  	[smem:$0x7FF] =	sst s5;
	s3 =	sshll.u32 s1, $0xB  }
0x6: {  	s7 =	simm.s32 $0x1;
	_ =	strace $0x80000047;
	s4 =	sadd.s32 s4, s3  }
0x7: {  	[tilespmem:s5], [sflag:$0x1] =	stream.linear.gather [hbm4b:s4+s5], $0x4000, $0x38;
	[tilespmem:$0xA970] =	vst v63  }
0x8: {  	_ =	swait.ge [sflag:s7], $0x4000  }
0x9: {  	[sflag:s7] =	ssyncset.done $0x0  }
0xa: {  	v0 =	vimm.s32 $0x0;
	s4 =	sadd.s32 $0x400, s6;
	s6 =	simm.s32 $0x0;
	[sflag:s7] =	ssyncadd.s32 $0xFFFFC000  }
.LBB2_1:
0xb: {  	p0 =	sne.s32 s6, $0x3FC0  }
.Ltmp0:
0xc: {  	_ = 	snop;
	(pc) =	sbr.rel @p0 .LBB2_1-.Ltmp0, $3  }
0xd: {  	_ =	sdelay $0x1  }
0xe: {  	s7 =	sshra.s32 s6, $0x2  }
0xf: {  	s6 =	sadd.s32 $0x40, s6;
	[tilespmem:s7+$0x8000] =	vst v0  }
0x10: {  	v0 =	vimm.f32 $0.0e+00  }
.LBB2_3:
0x11: {  	p0 =	sne.s32 s5, $0xFFC0  }
.Ltmp1:
0x12: {  	_ = 	snop;
	(pc) =	sbr.rel @p0 .LBB2_3-.Ltmp1, $4  }
0x13: {  	_ = 	snop  }
0x14: {  	s6 =	sand.u32 $0xFFC0, s5  }
0x15: {  	s6 =	sshrl.u32 s6, $0x2  }
0x16: {  	s5 =	sadd.s32 $0x40, s5;
	[tilespmem:s6+$0x4000] =	vst v0  }
0x17: {  	s5 =	simm.s32 $0x0  }
0x18: {  	v0 =	vlaneseq.u32;
	s8 =	sand.u32 $0xF0, s5  }
0x19: {  	v0 =	vmul.u32 $0x10, v0;
	v1 =	vmov s8  }
0x1a: {  	v1 =	vshll.u32 v1, $0x4  }
0x1b: {  	s6 =	simm.s32 $0x0;
	v8 =	vor.u32 v0, v1  }
0x1c: {  	v1 =	vor.u32 s6, v8;
	_ =	sdelay $0x1  }
0x1d: {  	v2 =	vor.u32 $0x1, v1;
	_ =	sdelay $0x1  }
0x1e: {  	v3 =	vor.u32 $0x2, v1  }
0x1f: {  	v4 =	vld.idx.msk [tilespmem:v1+s5+$0x0], $0xffff  }
0x20: {  	v5 =	vor.u32 $0x3, v1  }
0x21: {  	v2 =	vld.idx.msk [tilespmem:v2+s5+$0x0], $0xffff  }
0x22: {  	v6 =	vor.u32 $0x4, v1  }
0x23: {  	v3 =	vld.idx.msk [tilespmem:v3+s5+$0x0], $0xffff  }
0x24: {  	v7 =	vor.u32 $0x5, v1;
	vm0 =	vgt.f32 v4, $-Inf  }
0x25: {  	v5 =	vld.idx.msk [tilespmem:v5+s5+$0x0], $0xffff;
	v4 =	vnsel vm0, $0xFF800000, v4  }
0x26: {  	v9 =	vor.u32 $0x6, v1;
	vm0 =	vgt.f32 v2, v4  }
0x27: {  	v6 =	vld.idx.msk [tilespmem:v6+s5+$0x0], $0xffff;
	v2 =	vsel vm0, v2, v4  }
0x28: {  	v4 =	vor.u32 $0x7, v1;
	vm1 =	vgt.f32 v3, v2  }
0x29: {  	v7 =	vld.idx.msk [tilespmem:v7+s5+$0x0], $0xffff;
	v2 =	vsel vm1, v3, v2  }
0x2a: {  	v3 =	vor.u32 $0x8, v1;
	vm2 =	vgt.f32 v5, v2  }
0x2b: {  	v9 =	vld.idx.msk [tilespmem:v9+s5+$0x0], $0xffff;
	v2 =	vsel vm2, v5, v2  }
0x2c: {  	v5 =	vor.u32 $0x9, v1;
	vm3 =	vgt.f32 v6, v2  }
0x2d: {  	v4 =	vld.idx.msk [tilespmem:v4+s5+$0x0], $0xffff;
	v2 =	vsel vm3, v6, v2  }
0x2e: {  	v6 =	vor.u32 $0xA, v1;
	vm4 =	vgt.f32 v7, v2  }
0x2f: {  	v3 =	vld.idx.msk [tilespmem:v3+s5+$0x0], $0xffff;
	v2 =	vsel vm4, v7, v2  }
0x30: {  	v7 =	vor.u32 $0xB, v1;
	vm5 =	vgt.f32 v9, v2  }
0x31: {  	v5 =	vld.idx.msk [tilespmem:v5+s5+$0x0], $0xffff;
	v2 =	vsel vm5, v9, v2  }
0x32: {  	v9 =	vor.u32 $0xC, v1;
	vm6 =	vgt.f32 v4, v2  }
0x33: {  	v6 =	vld.idx.msk [tilespmem:v6+s5+$0x0], $0xffff;
	v4 =	vsel vm6, v4, v2  }
0x34: {  	v10 =	vor.u32 $0xD, v1;
	v2 =	vimm.s32 $0x0;
	vm7 =	vgt.f32 v3, v4  }
0x35: {  	v7 =	vld.idx.msk [tilespmem:v7+s5+$0x0], $0xffff;
	v11 =	vsel vm0, $0x1, v2;
	v3 =	vsel vm7, v3, v4  }
0x36: {  	v4 =	vor.u32 $0xE, v1;
	v11 =	vsel vm1, $0x2, v11;
	vm9 =	vgt.f32 v5, v3  }
0x37: {  	v9 =	vld.idx.msk [tilespmem:v9+s5+$0x0], $0xffff;
	v11 =	vsel vm2, $0x3, v11;
	v3 =	vsel vm9, v5, v3  }
0x38: {  	v1 =	vor.u32 $0xF, v1;
	v5 =	vsel vm3, $0x4, v11;
	vm10 =	vgt.f32 v6, v3  }
0x39: {  	v10 =	vld.idx.msk [tilespmem:v10+s5+$0x0], $0xffff;
	v5 =	vsel vm4, $0x5, v5;
	v3 =	vsel vm10, v6, v3  }
0x3a: {  	v5 =	vsel vm5, $0x6, v5;
	vm11 =	vgt.f32 v7, v3  }
0x3b: {  	v4 =	vld.idx.msk [tilespmem:v4+s5+$0x0], $0xffff;
	v5 =	vsel vm6, $0x7, v5;
	v3 =	vsel vm11, v7, v3  }
0x3c: {  	s10 =	simm.s32 $0x10;
	v5 =	vsel vm7, $0x8, v5;
	vm12 =	vgt.f32 v9, v3  }
0x3d: {  	s7 =	sand.u32 $0xF0, s10;
	v7 =	vld.idx.msk [tilespmem:v1+s5+$0x0], $0xffff;
	v1 =	vsel vm9, $0x9, v5;
	v3 =	vsel vm12, v9, v3  }
0x3e: {  	v5 =	vmov s7;
	v1 =	vsel vm10, $0xA, v1;
	vm13 =	vgt.f32 v10, v3  }
0x3f: {  	v5 =	vshll.u32 v5, $0x4;
	v6 =	vsel vm11, $0xB, v1;
	v9 =	vsel vm13, v10, v3  }
0x40: {  	s31 =	simm.s32 $0x0;
	v1 =	vor.u32 v0, v5;
	v5 =	vsel vm12, $0xC, v6;
	vm14 =	vgt.f32 v4, v9  }
0x41: {  	v3 =	vor.u32 s31, v1;
	v5 =	vsel vm13, $0xD, v5;
	v9 =	vsel vm14, v4, v9  }
0x42: {  	s9 =	simm.s32 $0x0;
	v6 =	vor.u32 $0x2, v3;
	v5 =	vsel vm14, $0xE, v5;
	vm15 =	vgt.f32 v7, v9  }
0x43: {  	s11 =	simm.s32 $0x2;
	s12 =	sor.u32 s8, s9;
	v4 =	vor.u32 $0x1, v3;
	v9 =	vsel vm15, v7, v9;
	v10 =	vsel vm15, $0xF, v5  }
0x44: {  	s8 =	simm.s32 $0x0;
	s9 =	simm.s32 $0x0;
	s6 =	simm.s32 $0x1;
	v7 =	vor.u32 $0x3, v3;
	v5 =	vor.u32 $0x4, v3;
	[tilespmem:s12+$0xA000] =	vst v9;
	v8 =	vadd.s32 v8, v10  }
.LBB2_5:
0x45: {  	p0 =	sne.s32 s11, $0x3F;
	v9 =	vor.u32 $0x5, v3;
	v10 =	vor.u32 $0x6, v3;
	v11 =	vor.u32 $0x7, v3;
	[tilespmem:s12+$0xA400] =	vst v8;
	s12 =	smov.u32 s11;
	s11 =	sadd.s32 $0x1, s11  }
0x46: {  	v12 =	vor.u32 $0x8, v3;
	v13 =	vor.u32 $0x9, v3;
	v14 =	vor.u32 $0xA, v3;
	v8 =	vld.idx.msk [tilespmem:v3+s9+$0x0], $0xffff  }
0x47: {  	v15 =	vor.u32 $0xB, v3;
	v16 =	vor.u32 $0xC, v3;
	v17 =	vor.u32 $0xD, v3  }
0x48: {  	v18 =	vor.u32 $0xE, v3;
	v3 =	vor.u32 $0xF, v3;
	v4 =	vld.idx.msk [tilespmem:v4+s9+$0x0], $0xffff;
	_ =	sdelay $0x1  }
0x49: {  	v6 =	vld.idx.msk [tilespmem:v6+s9+$0x0], $0xffff;
	_ =	sdelay $0x1  }
0x4a: {  	vm0 =	vgt.f32 v8, $-Inf;
	v7 =	vld.idx.msk [tilespmem:v7+s9+$0x0], $0xffff  }
0x4b: {  	v8 =	vnsel vm0, $0xFF800000, v8  }
0x4c: {  	vm0 =	vgt.f32 v4, v8;
	v5 =	vld.idx.msk [tilespmem:v5+s9+$0x0], $0xffff  }
0x4d: {  	v4 =	vsel vm0, v4, v8  }
0x4e: {  	vm1 =	vgt.f32 v6, v4;
	v8 =	vld.idx.msk [tilespmem:v9+s9+$0x0], $0xffff  }
0x4f: {  	v4 =	vsel vm1, v6, v4  }
0x50: {  	vm2 =	vgt.f32 v7, v4;
	v6 =	vld.idx.msk [tilespmem:v10+s9+$0x0], $0xffff  }
0x51: {  	v4 =	vsel vm2, v7, v4  }
0x52: {  	vm3 =	vgt.f32 v5, v4;
	v7 =	vld.idx.msk [tilespmem:v11+s9+$0x0], $0xffff  }
0x53: {  	v4 =	vsel vm3, v5, v4  }
0x54: {  	vm4 =	vgt.f32 v8, v4;
	v5 =	vld.idx.msk [tilespmem:v12+s9+$0x0], $0xffff  }
0x55: {  	v4 =	vsel vm4, v8, v4  }
0x56: {  	vm5 =	vgt.f32 v6, v4;
	v8 =	vld.idx.msk [tilespmem:v13+s9+$0x0], $0xffff  }
0x57: {  	v4 =	vsel vm5, v6, v4  }
0x58: {  	vm6 =	vgt.f32 v7, v4;
	v6 =	vld.idx.msk [tilespmem:v14+s9+$0x0], $0xffff  }
0x59: {  	v4 =	vsel vm6, v7, v4  }
0x5a: {  	vm7 =	vgt.f32 v5, v4;
	v7 =	vld.idx.msk [tilespmem:v15+s9+$0x0], $0xffff  }
0x5b: {  	v9 =	vsel vm0, $0x1, v2;
	v4 =	vsel vm7, v5, v4  }
0x5c: {  	v5 =	vsel vm1, $0x2, v9;
	vm0 =	vgt.f32 v8, v4;
	v9 =	vld.idx.msk [tilespmem:v16+s9+$0x0], $0xffff  }
0x5d: {  	v5 =	vsel vm2, $0x3, v5;
	v4 =	vsel vm0, v8, v4  }
0x5e: {  	v5 =	vsel vm3, $0x4, v5;
	vm1 =	vgt.f32 v6, v4;
	v8 =	vld.idx.msk [tilespmem:v17+s9+$0x0], $0xffff  }
0x5f: {  	v5 =	vsel vm4, $0x5, v5;
	v4 =	vsel vm1, v6, v4  }
0x60: {  	v5 =	vsel vm5, $0x6, v5;
	vm2 =	vgt.f32 v7, v4;
	v6 =	vld.idx.msk [tilespmem:v18+s9+$0x0], $0xffff  }
0x61: {  	v5 =	vsel vm6, $0x7, v5;
	v4 =	vsel vm2, v7, v4  }
0x62: {  	s10 =	sadd.s32 $0x10, s10;
	v5 =	vsel vm7, $0x8, v5;
	vm3 =	vgt.f32 v9, v4;
	v7 =	vld.idx.msk [tilespmem:v3+s9+$0x0], $0xffff;
	s9 =	smov.u32 s5  }
0x63: {  	s13 =	sand.u32 $0xF0, s10;
	v3 =	vsel vm0, $0x9, v5;
	v4 =	vsel vm3, v9, v4  }
0x64: {  	v5 =	vmov s13;
	v3 =	vsel vm1, $0xA, v3;
	vm0 =	vgt.f32 v8, v4  }
0x65: {  	s12 =	sshrl.u32 s12, $0x4;
	v5 =	vshll.u32 v5, $0x4;
	v3 =	vsel vm2, $0xB, v3;
	v4 =	vsel vm0, v8, v4  }
.Ltmp2:
0x66: {  	s14 =	sshll.u32 s12, $0xC;
	s15 =	sshll.u32 s12, $0x8;
	v9 =	vor.u32 v0, v5;
	v5 =	vsel vm3, $0xC, v3;
	vm1 =	vgt.f32 v6, v4;
	(pc) =	sbr.rel @p0 .LBB2_5-.Ltmp2, $4  }
0x67: {  	v3 =	vor.u32 s14, v9;
	v5 =	vsel vm0, $0xD, v5;
	v8 =	vsel vm1, v6, v4  }
0x68: {  	v4 =	vor.u32 $0x1, v3;
	v5 =	vsel vm1, $0xE, v5;
	vm0 =	vgt.f32 v7, v8  }
0x69: {  	s12 =	sor.u32 s7, s8;
	s7 =	smov.u32 s13;
	s8 =	smov.u32 s15;
	v6 =	vor.u32 $0x2, v3;
	v8 =	vsel vm0, v7, v8;
	v10 =	vsel vm0, $0xF, v5  }
0x6a: {  	v7 =	vor.u32 $0x3, v3;
	v5 =	vor.u32 $0x4, v3;
	[tilespmem:s12+$0xA000] =	vst v8;
	v8 =	vadd.s32 v1, v10;
	v1 =	vmovc v9  }
0x6b: {  	_ =	sdelay $0x2  }
0x6c: {  	[tilespmem:s12+$0xA400] =	vst v8  }
0x6d: {  	v0 =	vld.idx.msk [tilespmem:v3+s9+$0x0], $0xffff;
	_ =	sdelay $0x1  }
0x6e: {  	v4 =	vld.idx.msk [tilespmem:v4+s9+$0x0], $0xffff;
	_ =	sdelay $0x1  }
0x6f: {  	v6 =	vld.idx.msk [tilespmem:v6+s9+$0x0], $0xffff  }
0x70: {  	v54 =	vor.u32 $0x5, v3;
	vm0 =	vgt.f32 v0, $-Inf  }
0x71: {  	v7 =	vld.idx.msk [tilespmem:v7+s9+$0x0], $0xffff;
	v0 =	vnsel vm0, $0xFF800000, v0  }
0x72: {  	v9 =	vor.u32 $0x6, v3;
	vm0 =	vgt.f32 v4, v0  }
0x73: {  	v5 =	vld.idx.msk [tilespmem:v5+s9+$0x0], $0xffff;
	v0 =	vsel vm0, v4, v0  }
0x74: {  	v55 =	vor.u32 $0x7, v3;
	vm1 =	vgt.f32 v6, v0  }
0x75: {  	v8 =	vld.idx.msk [tilespmem:v54+s9+$0x0], $0xffff;
	v0 =	vsel vm1, v6, v0  }
0x76: {  	v56 =	vor.u32 $0x8, v3;
	vm2 =	vgt.f32 v7, v0  }
0x77: {  	v9 =	vld.idx.msk [tilespmem:v9+s9+$0x0], $0xffff;
	v0 =	vsel vm2, v7, v0  }
0x78: {  	v57 =	vor.u32 $0x9, v3;
	vm3 =	vgt.f32 v5, v0  }
0x79: {  	v4 =	vld.idx.msk [tilespmem:v55+s9+$0x0], $0xffff;
	v0 =	vsel vm3, v5, v0  }
0x7a: {  	v58 =	vor.u32 $0xA, v3;
	vm4 =	vgt.f32 v8, v0  }
0x7b: {  	v6 =	vld.idx.msk [tilespmem:v56+s9+$0x0], $0xffff;
	v0 =	vsel vm4, v8, v0  }
0x7c: {  	v59 =	vor.u32 $0xB, v3;
	vm5 =	vgt.f32 v9, v0  }
0x7d: {  	v7 =	vld.idx.msk [tilespmem:v57+s9+$0x0], $0xffff;
	v0 =	vsel vm5, v9, v0  }
0x7e: {  	v60 =	vor.u32 $0xC, v3;
	vm6 =	vgt.f32 v4, v0  }
0x7f: {  	v5 =	vld.idx.msk [tilespmem:v58+s9+$0x0], $0xffff;
	v0 =	vsel vm6, v4, v0  }
0x80: {  	v61 =	vor.u32 $0xD, v3;
	vm7 =	vgt.f32 v6, v0  }
0x81: {  	v2 =	vsel vm0, $0x1, v2;
	v8 =	vld.idx.msk [tilespmem:v59+s9+$0x0], $0xffff;
	v0 =	vsel vm7, v6, v0  }
0x82: {  	v62 =	vor.u32 $0xE, v3;
	v2 =	vsel vm1, $0x2, v2;
	vm9 =	vgt.f32 v7, v0  }
0x83: {  	v2 =	vsel vm2, $0x3, v2;
	v9 =	vld.idx.msk [tilespmem:v60+s9+$0x0], $0xffff;
	v0 =	vsel vm9, v7, v0  }
0x84: {  	v3 =	vor.u32 $0xF, v3;
	v2 =	vsel vm3, $0x4, v2;
	vm10 =	vgt.f32 v5, v0  }
0x85: {  	v2 =	vsel vm4, $0x5, v2;
	v4 =	vld.idx.msk [tilespmem:v61+s9+$0x0], $0xffff;
	v0 =	vsel vm10, v5, v0  }
0x86: {  	v2 =	vsel vm5, $0x6, v2;
	vm11 =	vgt.f32 v8, v0  }
0x87: {  	v63 =	vld.idx.msk [tilespmem:v62+s9+$0x0], $0xffff;
	v2 =	vsel vm6, $0x7, v2;
	v0 =	vsel vm11, v8, v0  }
0x88: {  	v2 =	vsel vm7, $0x8, v2;
	vm12 =	vgt.f32 v9, v0  }
0x89: {  	v3 =	vld.idx.msk [tilespmem:v3+s9+$0x0], $0xffff;
	v2 =	vsel vm9, $0x9, v2;
	v0 =	vsel vm12, v9, v0  }
0x8a: {  	v2 =	vsel vm10, $0xA, v2;
	vm13 =	vgt.f32 v4, v0  }
0x8b: {  	v2 =	vsel vm11, $0xB, v2;
	v0 =	vsel vm13, v4, v0  }
0x8c: {  	v2 =	vsel vm12, $0xC, v2;
	vm14 =	vgt.f32 v63, v0  }
0x8d: {  	v2 =	vsel vm13, $0xD, v2;
	v0 =	vsel vm14, v63, v0  }
0x8e: {  	v2 =	vsel vm14, $0xE, v2;
	vm15 =	vgt.f32 v3, v0  }
0x8f: {  	s7 =	sor.u32 s7, s8;
	s28 =	sand.u32 $0xF, s5;
	s29 =	simm.s32 $0x0;
	v0 =	vsel vm15, v3, v0;
	v2 =	vsel vm15, $0xF, v2  }
0x90: {  	s10 =	sshll.u32 s28, $0x4;
	s9 =	sand.u32 $0x3FFFFF00, s29;
	[tilespmem:s7+$0xA000] =	vst v0;
	v0 =	vadd.s32 v1, v2  }
0x91: {  	s30 =	sor.u32 s10, s9;
	[tilespmem:s7+$0xA400] =	vst v0  }
0x92: {  	v0 =	vld [tilespmem:s30+$0xA000];
	_ =	sdelay $0x4  }
0x93: {  	s31 =	sand.u32 $0xFFFFFFF0, s5;
	(xrf0) =	vmax.scan.msk.f32 $0xffff, v0  }
0x94: {  	v0 =	vmov s31  }
0x95: {  	v0 =	vor.u32 s28, v0  }
0x96: {  	v0 =	vbroadcast v0, $0x0;
	_ =	sdelay $0x2  }
0x97: {  	s15 =	simm.s32 $0xA800;
	v1, _, _ =	vpop (xrf0)  }
0x98: {  	s5 =	sand.u32 $0xF, s6;
	s8 =	simm.s32 $0x10;
	s7 =	simm.s32 $0x2;
	v1 =	vbroadcast v1, $0xF  }
.LBB2_7:
0x99: {  	p0 =	sne.s32 s7, $0x3F;
	s8 =	sand.u32 $0x3FFFFF00, s8;
	s9 =	sshll.u32 s5, $0x4  }
0x9a: {  	s8 =	sor.u32 s9, s8;
	[tilespmem:v0+s15+$0x0] =	vst.idx.msk $0x1, v1  }
0x9b: {  	v0 =	vld [tilespmem:s8+$0xA000];
	_ =	sdelay $0x4  }
0x9c: {  	s8 =	sand.u32 $0xFFFFFFF0, s6;
	s6 =	smov.u32 s7;
	(xrf0) =	vmax.scan.msk.f32 $0xffff, v0  }
0x9d: {  	v0 =	vmov s8  }
0x9e: {  	v0 =	vor.u32 s5, v0  }
.Ltmp3:
0x9f: {  	v0 =	vbroadcast v0, $0x0;
	(pc) =	sbr.rel @p0 .LBB2_7-.Ltmp3, $3  }
0xa0: {  	_ =	sdelay $0x1  }
0xa1: {  	v1, _, _ =	vpop (xrf0)  }
0xa2: {  	s7 =	sadd.s32 $0x1, s7;
	s8 =	sshll.u32 s6, $0x4;
	s5 =	sand.u32 $0xF, s6;
	v1 =	vbroadcast v1, $0xF  }
0xa3: {  	_ =	sdelay $0x2  }
0xa4: {  	s7 =	sand.u32 $0x3FFFFF00, s8;
	s29 =	sshll.u32 s5, $0x4  }
0xa5: {  	s7 =	sor.u32 s29, s7;
	[tilespmem:v0+s15+$0x0] =	vst.idx.msk $0x1, v1  }
0xa6: {  	v0 =	vld [tilespmem:s7+$0xA000];
	_ =	sdelay $0x4  }
0xa7: {  	s6 =	sand.u32 $0xFFFFFFF0, s6;
	(xrf0) =	vmax.scan.msk.f32 $0xffff, v0  }
0xa8: {  	v0 =	vmov s6  }
0xa9: {  	v0 =	vor.u32 s5, v0  }
0xaa: {  	v6 =	vbroadcast v0, $0x0  }
0xab: {  	s30 =	sshll.u32 s1, $0x2  }
.Ltmp4:
0xac: {  	s31 =	sshll.u32 s1, $0x6;
	s9 =	simm.s32 $0x0;
	(pc) =	sbr.rel .LBB2_9-.Ltmp4, $4  }
0xad: {  	v2 =	vimm.s32 $0x0;
	v3 =	vimm.s32 $0x1;
	s8 =	simm.s32 $0x1;
	s10 =	simm.s32 $0xA850;
	s11 =	simm.s32 $0x8000;
	v0, _, _ =	vpop (xrf0)  }
0xae: {  	v4 =	vimm.s32 $0x2;
	v5 =	vimm.s32 $0x3;
	s12 =	simm.s32 $0x9000;
	s13 =	simm.s32 $0xA000;
	s14 =	simm.s32 $0xA800;
	v7 =	vbroadcast v0, $0xF  }
0xaf: {  	vm0 =	vcmask $0x3F04;
	vm1 =	vmxor vm1, vm1;
	s16 =	simm.s32 $0x0;
	s17 =	simm.s32 $0x0;
	s7 =	sshrl.u32 s31, $0x2;
	v0 =	vlaneseq.u32  }
0xb0: {  	s6 =	simm.s32 $0xA840;
	s5 =	simm.s32 $0xA400;
	v1 =	vadd.s32 s30, v0;
	[tilespmem:v6+s15+$0x0] =	vst.idx.msk $0x1, v7;
	v6 =	vor.u32 $0x80000000, v0;
	v7 =	vimm.f32 $1.000000000e+00;
	s15 =	simm.s32 $0x4000  }
.LBB2_19:
0xb1: {  	v8 =	vmov s9  }
0xb2: {  	v9 =	vld [tilespmem:$0xA840];
	v8 =	vsub.s32 v1, v8  }
0xb3: {  	v8 =	vand.u32 $0x3F, v8  }
0xb4: {  	v8 =	vadd.s32 s9, v8  }
0xb5: {  	vm3 =	vmmov $0xf;
	vm2 =	vlt.s32 v8, s17;
	v8 =	vmul.u32 $0x1000, v0  }
0xb6: {  	vm2 =	vmand vm2, vm3  }
0xb7: {  	p0 =	slt.s32 s17, $0x1000;
	v8 =	vadd.s32 v8, v9  }
.Ltmp5:
0xb8: {  	_ = 	snop;
	(pc) =	sbr.rel @!p0 .LBB2_20-.Ltmp5, $2  }
0xb9: {  	_ =	sdelay $0x2  }
0xba: {  	s16 =	sxor.u32 $0x1, s16;
	s9 =	smov.u32 s17;
	[tilespmem:v8+s15+$0x0] =	vst.idx.msk vm2, v7  }
.LBB2_9:
0xbb: {  	v8 =	vld [tilespmem:$0xA800];
	_ =	sdelay $0x4  }
0xbc: {  	(xrf0) =	vmax.scan.msk.f32 $0xffff, v8;
	_ =	sdelay $0x5  }
0xbd: {  	v9, _, _ =	vpop (xrf0)  }
0xbe: {  	v9 =	vbroadcast v9, $0xF;
	_ =	sdelay $0x1  }
0xbf: {  	vm2 =	veq.f32 v8, v9  }
0xc0: {  	v8 =	vmctz.xlane vm2;
	_ =	sdelay $0x1  }
0xc1: {  	v8 =	vxor.u32 $0x80000000, v8  }
0xc2: {  	(xrf0) =	vmax.scan.msk.u32 $0xffff, v8;
	_ =	sdelay $0x5  }
0xc3: {  	v8, _, _ =	vpop (xrf0)  }
0xc4: {  	(v2sf) =	vpush v8, $0xF;
	_ =	sdelay $0xe  }
0xc5: {  	s18 =	spop (v2sf)  }
0xc6: {  	s18 =	sshll.u32 s18, $0x4  }
0xc7: {  	v8 =	vld [tilespmem:s18+$0xA000];
	_ =	sdelay $0x4  }
0xc8: {  	(xrf0) =	vmax.scan.msk.f32 $0xffff, v8;
	_ =	sdelay $0x5  }
0xc9: {  	v9, _, _ =	vpop (xrf0)  }
0xca: {  	v9 =	vbroadcast v9, $0xF;
	_ =	sdelay $0x1  }
0xcb: {  	vm2 =	veq.f32 v8, v9  }
0xcc: {  	v8 =	vmctz.xlane vm2;
	_ =	sdelay $0x1  }
0xcd: {  	v8 =	vxor.u32 $0x80000000, v8  }
0xce: {  	(xrf0) =	vmax.scan.msk.u32 $0xffff, v8;
	_ =	sdelay $0x5  }
0xcf: {  	v8, _, _ =	vpop (xrf0)  }
0xd0: {  	(v2sf) =	vpush v8, $0xF;
	_ =	sdelay $0xe  }
0xd1: {  	s19 =	spop (v2sf)  }
0xd2: {  	s18 =	sadd.s32 s19, s18  }
0xd3: {  	s18 =	sadd.s32 $0x80000000, s18  }
0xd4: {  	v8 =	vmov s18;
	_ =	sdelay $0x4  }
0xd5: {  	v8 =	vld.idx.msk [tilespmem:v8+s5+$0x0], $0x1;
	_ =	sdelay $0x4  }
0xd6: {  	v8 =	vbroadcast v8, $0x0;
	_ =	sdelay $0x1  }
0xd7: {  	[tilespmem:v2+s6+$0x0] =	vst.idx.msk $0x1, v8  }
0xd8: {  	v8 =	vld [tilespmem:$0xA810];
	_ =	sdelay $0x4  }
0xd9: {  	(xrf0) =	vmax.scan.msk.f32 $0xffff, v8;
	_ =	sdelay $0x5  }
0xda: {  	v9, _, _ =	vpop (xrf0)  }
0xdb: {  	v9 =	vbroadcast v9, $0xF;
	_ =	sdelay $0x1  }
0xdc: {  	vm2 =	veq.f32 v8, v9  }
0xdd: {  	v8 =	vmctz.xlane vm2;
	_ =	sdelay $0x1  }
0xde: {  	v8 =	vxor.u32 $0x80000000, v8  }
0xdf: {  	(xrf0) =	vmax.scan.msk.u32 $0xffff, v8;
	_ =	sdelay $0x5  }
0xe0: {  	v8, _, _ =	vpop (xrf0)  }
0xe1: {  	(v2sf) =	vpush v8, $0xF;
	_ =	sdelay $0xe  }
0xe2: {  	s23 =	spop (v2sf)  }
0xe3: {  	s18 =	sshll.u32 s23, $0x4  }
0xe4: {  	v8 =	vld [tilespmem:s18+$0xA100];
	_ =	sdelay $0x4  }
0xe5: {  	(xrf0) =	vmax.scan.msk.f32 $0xffff, v8;
	_ =	sdelay $0x5  }
0xe6: {  	v9, _, _ =	vpop (xrf0)  }
0xe7: {  	v9 =	vbroadcast v9, $0xF;
	_ =	sdelay $0x1  }
0xe8: {  	vm2 =	veq.f32 v8, v9  }
0xe9: {  	v8 =	vmctz.xlane vm2;
	_ =	sdelay $0x1  }
0xea: {  	v8 =	vxor.u32 $0x80000000, v8  }
0xeb: {  	(xrf0) =	vmax.scan.msk.u32 $0xffff, v8;
	_ =	sdelay $0x5  }
0xec: {  	v8, _, _ =	vpop (xrf0)  }
0xed: {  	(v2sf) =	vpush v8, $0xF;
	_ =	sdelay $0xe  }
0xee: {  	s24 =	spop (v2sf)  }
0xef: {  	s18 =	sadd.s32 s24, s18  }
0xf0: {  	s18 =	sadd.s32 $0x80000000, s18  }
0xf1: {  	v8 =	vmov s18  }
0xf2: {  	v8 =	vadd.s32 $0x100, v8;
	_ =	sdelay $0x4  }
0xf3: {  	v8 =	vld.idx.msk [tilespmem:v8+s5+$0x0], $0x1;
	_ =	sdelay $0x4  }
0xf4: {  	v8 =	vbroadcast v8, $0x0;
	_ =	sdelay $0x1  }
0xf5: {  	[tilespmem:v3+s6+$0x0] =	vst.idx.msk $0x1, v8  }
0xf6: {  	v8 =	vld [tilespmem:$0xA820];
	_ =	sdelay $0x4  }
0xf7: {  	(xrf0) =	vmax.scan.msk.f32 $0xffff, v8;
	_ =	sdelay $0x5  }
0xf8: {  	v9, _, _ =	vpop (xrf0)  }
0xf9: {  	v9 =	vbroadcast v9, $0xF;
	_ =	sdelay $0x1  }
0xfa: {  	vm2 =	veq.f32 v8, v9  }
0xfb: {  	v8 =	vmctz.xlane vm2;
	_ =	sdelay $0x1  }
0xfc: {  	v8 =	vxor.u32 $0x80000000, v8  }
0xfd: {  	(xrf0) =	vmax.scan.msk.u32 $0xffff, v8;
	_ =	sdelay $0x5  }
0xfe: {  	v8, _, _ =	vpop (xrf0)  }
0xff: {  	(v2sf) =	vpush v8, $0xF;
	_ =	sdelay $0xe  }
0x100: {  	s25 =	spop (v2sf)  }
0x101: {  	s18 =	sshll.u32 s25, $0x4  }
0x102: {  	v8 =	vld [tilespmem:s18+$0xA200];
	_ =	sdelay $0x4  }
0x103: {  	(xrf0) =	vmax.scan.msk.f32 $0xffff, v8;
	_ =	sdelay $0x5  }
0x104: {  	v9, _, _ =	vpop (xrf0)  }
0x105: {  	v9 =	vbroadcast v9, $0xF;
	_ =	sdelay $0x1  }
0x106: {  	vm2 =	veq.f32 v8, v9  }
0x107: {  	v8 =	vmctz.xlane vm2;
	_ =	sdelay $0x1  }
0x108: {  	v8 =	vxor.u32 $0x80000000, v8  }
0x109: {  	(xrf0) =	vmax.scan.msk.u32 $0xffff, v8;
	_ =	sdelay $0x5  }
0x10a: {  	v8, _, _ =	vpop (xrf0)  }
0x10b: {  	(v2sf) =	vpush v8, $0xF;
	_ =	sdelay $0xe  }
0x10c: {  	s26 =	spop (v2sf)  }
0x10d: {  	s18 =	sadd.s32 s26, s18  }
0x10e: {  	s18 =	sadd.s32 $0x80000000, s18  }
0x10f: {  	v8 =	vmov s18  }
0x110: {  	v8 =	vadd.s32 $0x200, v8;
	_ =	sdelay $0x4  }
0x111: {  	v8 =	vld.idx.msk [tilespmem:v8+s5+$0x0], $0x1;
	_ =	sdelay $0x4  }
0x112: {  	v8 =	vbroadcast v8, $0x0;
	_ =	sdelay $0x1  }
0x113: {  	[tilespmem:v4+s6+$0x0] =	vst.idx.msk $0x1, v8  }
0x114: {  	v8 =	vld [tilespmem:$0xA830];
	_ =	sdelay $0x4  }
0x115: {  	(xrf0) =	vmax.scan.msk.f32 $0xffff, v8;
	_ =	sdelay $0x5  }
0x116: {  	v9, _, _ =	vpop (xrf0)  }
0x117: {  	v9 =	vbroadcast v9, $0xF;
	_ =	sdelay $0x1  }
0x118: {  	vm2 =	veq.f32 v8, v9  }
0x119: {  	v8 =	vmctz.xlane vm2;
	_ =	sdelay $0x1  }
0x11a: {  	v8 =	vxor.u32 $0x80000000, v8  }
0x11b: {  	(xrf0) =	vmax.scan.msk.u32 $0xffff, v8;
	_ =	sdelay $0x5  }
0x11c: {  	v8, _, _ =	vpop (xrf0)  }
0x11d: {  	(v2sf) =	vpush v8, $0xF;
	_ =	sdelay $0xe  }
0x11e: {  	s28 =	spop (v2sf)  }
0x11f: {  	s18 =	sshll.u32 s28, $0x4  }
0x120: {  	v8 =	vld [tilespmem:s18+$0xA300];
	_ =	sdelay $0x4  }
0x121: {  	(xrf0) =	vmax.scan.msk.f32 $0xffff, v8;
	_ =	sdelay $0x5  }
0x122: {  	v9, _, _ =	vpop (xrf0)  }
0x123: {  	v9 =	vbroadcast v9, $0xF;
	_ =	sdelay $0x1  }
0x124: {  	vm2 =	veq.f32 v8, v9  }
0x125: {  	v8 =	vmctz.xlane vm2;
	_ =	sdelay $0x1  }
0x126: {  	v8 =	vxor.u32 $0x80000000, v8  }
0x127: {  	(xrf0) =	vmax.scan.msk.u32 $0xffff, v8;
	_ =	sdelay $0x5  }
0x128: {  	v8, _, _ =	vpop (xrf0)  }
0x129: {  	(v2sf) =	vpush v8, $0xF;
	_ =	sdelay $0xe  }
0x12a: {  	s29 =	spop (v2sf)  }
0x12b: {  	s18 =	sadd.s32 s29, s18  }
0x12c: {  	s18 =	sadd.s32 $0x80000000, s18  }
0x12d: {  	v8 =	vmov s18  }
0x12e: {  	v8 =	vadd.s32 $0x300, v8;
	_ =	sdelay $0x4  }
0x12f: {  	v8 =	vld.idx.msk [tilespmem:v8+s5+$0x0], $0x1;
	_ =	sdelay $0x3  }
0x130: {  	s30 =	sshll.u32 s16, $0x8  }
0x131: {  	s18 =	sand.u32 $0x3FFFFF00, s30;
	v8 =	vbroadcast v8, $0x0  }
0x132: {  	s18 =	sadd.s32 s18, s2  }
0x133: {  	s31 =	sadd.s32 s7, s18;
	[tilespmem:v5+s6+$0x0] =	vst.idx.msk $0x1, v8  }
0x134: {  	[spmem:s31] =	stream.linear.scatter [tilespmem:s6], [sflag:$0x1], $0x10, $0x38;
	[tilespmem:$0xA970] =	vst v63  }
0x135: {  	_ =	swait.ge [sflag:s8], $0x10  }
0x136: {  	[sflag:s8] =	ssyncset.done $0x0  }
0x137: {  	[sflag:s8] =	ssyncadd.s32 $0xFFFFFFF0  }
0x138: {  	[bflag:$0x0] =	sbarrier.arrive $0xFFFF  }
0x139: {  	[tilespmem:s10], [sflag:$0x1] =	stream.linear.gather [spmem:s18], $0x100, $0x38;
	[tilespmem:$0xA970] =	vst v63  }
.Ltmp6:
0x13a: {  	_ = 	snop;
	(pc) =	sbr.rel .LBB2_10-.Ltmp6, $4  }
0x13b: {  	p0 =	slt.s32 s9, $0xFC0;
	s18 =	smov.u32 s9  }
0x13c: {  	_ =	swait.ge [sflag:s8], $0x100;
	s18 =	simm.s32 @!p0 $0xFC0  }
0x13d: {  	[sflag:s8] =	ssyncset.done $0x0;
	s18 =	sadd.s32 $0x40, s18  }
0x13e: {  	[sflag:s8] =	ssyncadd.s32 $0xFFFFFF00;
	v8 =	vmov s18  }
.LBB2_18:
0x13f: {  	s21 =	ssub.s32 s18, s17  }
0x140: {  	p0 =	slt.s32 s20, s21  }
0x141: {  	s21 =	smov.u32 @p0 s20  }
0x142: {  	p0 =	sne.s32 s19, $0x80000010;
	s17 =	sadd.s32 s17, s21  }
0x143: {  	p1 =	slt.s32 @!p0 s17, s18  }
0x144: {  	p0 =	por p0, !p1  }
.Ltmp7:
0x145: {  	_ = 	snop;
	(pc) =	sbr.rel @p0 .LBB2_19-.Ltmp7, $1  }
0x146: {  	_ =	sdelay $0x3  }
.LBB2_10:
0x147: {  	v9 =	vadd.s32 s17, v0  }
0x148: {  	v10 =	vshll.u32 v9, $0x2  }
0x149: {  	vm2 =	vlt.s32 v9, v8;
	v9 =	vand.u32 $0x3, v9;
	v10 =	vand.u32 $0xF0, v10  }
0x14a: {  	v9 =	vor.u32 v9, v10;
	_ =	sdelay $0x4  }
0x14b: {  	v9 =	vld.idx.msk [tilespmem:v9+s10+$0x0], vm2;
	_ =	sdelay $0x7  }
0x14c: {  	v10 =	vld.idx.msk [tilespmem:v9+s11+$0x0], vm2;
	[tilespmem:v9+s12+$0x0] =	vst.idx.msk vm2, v0  }
0x14d: {  	v11 =	vld.idx.msk [tilespmem:v9+s12+$0x0], vm2;
	_ =	sdelay $0x1  }
0x14e: {  	v12 =	vbroadcast v9, $0x0;
	_ =	sdelay $0x1  }
0x14f: {  	vm3 =	veq.s32 v9, v12  }
0x150: {  	p0 =	sgt.s32 s17, s9;
	vm5 =	vmmov vm1;
	vm3 =	vmand vm3, vm0;
	vm4 =	vne.s32 v11, v0  }
0x151: {  	vm5 =	vmneg @p0 vm5;
	vm14 =	vne.s32 v10, $0x0;
	vm3 =	vmor vm3, vm4  }
0x152: {  	vm15 =	vmor vm5, vm0;
	vm3 =	vmor vm14, vm3  }
0x153: {  	vm3 =	vmand vm15, vm3  }
0x154: {  	vm3 =	vmand vm2, vm3  }
0x155: {  	v10 =	vnsel vm3, $0x80000010, v6  }
0x156: {  	(xrf0) =	vmin.scan.msk.u32 $0xffff, v10;
	_ =	sdelay $0x5  }
0x157: {  	v10, _, _ =	vpop (xrf0)  }
0x158: {  	(v2sf) =	vpush v10, $0xF;
	_ =	sdelay $0xe  }
0x159: {  	s19 =	spop (v2sf)  }
0x15a: {  	s20 =	sxor.u32 $0x80000000, s19  }
0x15b: {  	v10 =	vmov s20  }
0x15c: {  	vm3 =	vgt.s32 v10, v0  }
0x15d: {  	vm2 =	vmand vm2, vm3;
	_ =	sdelay $0x1  }
0x15e: {  	v10 =	vshrl.u32 v9, $0x4;
	_ =	sdelay $0x3  }
0x15f: {  	[tilespmem:v9+s11+$0x0] =	vst.idx.msk vm2, v3  }
0x160: {  	v11 =	vld.idx.msk [tilespmem:v10+s5+$0x0], vm2;
	_ =	sdelay $0x4  }
0x161: {  	vm3 =	veq.s32 v11, v9  }
0x162: {  	vm3 =	vmand vm3, vm2  }
0x163: {  	v11 =	vnsel vm3, $0xFFFFFFFF, v9  }
0x164: {  	v63 =	vxor.u32 $0x80000000, v11  }
0x165: {  	(xrf0) =	vmax.scan.msk.u32 $0xffff, v63;
	_ =	sdelay $0x5  }
0x166: {  	v12, _, _ =	vpop (xrf0)  }
0x167: {  	(v2sf) =	vpush v12, $0xF;
	_ =	sdelay $0xe  }
0x168: {  	s21 =	spop (v2sf)  }
0x169: {  	p0 =	sgt.s32 s21, $0xFFFFFFFF  }
.Ltmp8:
0x16a: {  	_ = 	snop;
	(pc) =	sbr.rel @p0 .LBB2_12-.Ltmp8, $1  }
0x16b: {  	_ =	sdelay $0x3  }
.LBB2_11:
0x16c: {  	s22 =	sand.u32 $0x7FFFFFF0, s21  }
0x16d: {  	v12 =	vld [tilespmem:s22+$0x8000]  }
0x16e: {  	v13 =	vld [tilespmem:s22+$0x0];
	_ =	sdelay $0x3  }
0x16f: {  	vm3 =	veq.s32 v12, $0x0  }
0x170: {  	v12 =	vnsel vm3, $0xFF800000, v13  }
0x171: {  	(xrf0) =	vmax.scan.msk.f32 $0xffff, v12;
	_ =	sdelay $0x5  }
0x172: {  	s29 =	sand.u32 $0x7FFFFFFF, s21;
	v55, _, _ =	vpop (xrf0)  }
0x173: {  	s23 =	sshrl.u32 s29, $0x8;
	v13 =	vbroadcast v55, $0xF  }
0x174: {  	s24 =	sshll.u32 s23, $0x4  }
0x175: {  	v14 =	vld [tilespmem:s24+$0xA000];
	vm3 =	veq.f32 v12, v13  }
0x176: {  	s30 =	sshrl.u32 s29, $0x4;
	v12 =	vmctz.xlane vm3  }
0x177: {  	s25 =	sand.u32 $0xF, s30  }
0x178: {  	v15 =	vmov s25;
	v12 =	vxor.u32 $0x80000000, v12  }
0x179: {  	vm4 =	veq.s32 v11, s29;
	vm3 =	veq.s32 v15, v0;
	(xrf0) =	vmax.scan.msk.u32 $0xffff, v12  }
0x17a: {  	v11 =	vsel vm4, $0xFFFFFFFF, v11;
	v56 =	vsel vm3, v13, v14  }
0x17b: {  	v57 =	vxor.u32 $0x80000000, v11;
	(xrf0) =	vmax.scan.msk.f32 $0xffff, v56  }
0x17c: {  	(xrf0) =	vmax.scan.msk.u32 $0xffff, v57;
	_ =	sdelay $0x2  }
0x17d: {  	v58, _, _ =	vpop (xrf0)  }
0x17e: {  	(v2sf) =	vpush v58, $0xF  }
0x17f: {  	v59, _, _ =	vpop (xrf0)  }
0x180: {  	v60, _, _ =	vpop (xrf0)  }
0x181: {  	(v2sf) =	vpush v60, $0xF;
	_ =	sdelay $0xb  }
0x182: {  	v61 =	vmov s30;
	s31 =	spop (v2sf)  }
0x183: {  	v14 =	vbroadcast v61, $0x0;
	s21 =	sadd.s32 s31, s22  }
0x184: {  	v62 =	vmov s23;
	s21 =	sadd.s32 $0x80000000, s21  }
0x185: {  	v15 =	vbroadcast v62, $0x0;
	v63 =	vmov s21;
	s21 =	spop (v2sf)  }
0x186: {  	p0 =	slt.s32 s21, $0x0  }
.Ltmp9:
0x187: {  	_ = 	snop;
	(pc) =	sbr.rel @p0 .LBB2_11-.Ltmp9, $4  }
0x188: {  	_ = 	snop  }
0x189: {  	[tilespmem:v14+s13+$0x0] =	vst.idx.msk $0x1, v13;
	v12 =	vbroadcast v59, $0xF  }
0x18a: {  	[tilespmem:v14+s5+$0x0] =	vst.idx.msk $0x1, v63  }
0x18b: {  	[tilespmem:v15+s14+$0x0] =	vst.idx.msk $0x1, v12  }
.LBB2_12:
0x18c: {  	v11 =	vand.u32 $0x7, v10;
	v10 =	vand.u32 $0xFFFFFF8, v10  }
0x18d: {  	v10 =	vadd.s32 v11, v10  }
0x18e: {  	v11 =	vadd.s32 $0x100, v10;
	_ =	sdelay $0x4  }
0x18f: {  	v11 =	vld.idx.msk [tilespmem:v11+s5+$0x0], vm2;
	_ =	sdelay $0x4  }
0x190: {  	vm3 =	veq.s32 v11, v9  }
0x191: {  	vm3 =	vmand vm2, vm3  }
0x192: {  	v11 =	vnsel vm3, $0xFFFFFFFF, v9  }
0x193: {  	v12 =	vxor.u32 $0x80000000, v11  }
0x194: {  	(xrf0) =	vmax.scan.msk.u32 $0xffff, v12;
	_ =	sdelay $0x5  }
0x195: {  	v12, _, _ =	vpop (xrf0)  }
0x196: {  	(v2sf) =	vpush v12, $0xF;
	_ =	sdelay $0xe  }
0x197: {  	s21 =	spop (v2sf)  }
0x198: {  	p0 =	sgt.s32 s21, $0xFFFFFFFF  }
.Ltmp10:
0x199: {  	_ = 	snop;
	(pc) =	sbr.rel @p0 .LBB2_14-.Ltmp10, $1  }
0x19a: {  	_ =	sdelay $0x3  }
.LBB2_13:
0x19b: {  	s22 =	sand.u32 $0x7FFFFFF0, s21  }
0x19c: {  	v12 =	vld [tilespmem:s22+$0x8000]  }
0x19d: {  	v13 =	vld [tilespmem:s22+$0x1000];
	_ =	sdelay $0x3  }
0x19e: {  	vm3 =	veq.s32 v12, $0x0  }
0x19f: {  	v12 =	vnsel vm3, $0xFF800000, v13  }
0x1a0: {  	(xrf0) =	vmax.scan.msk.f32 $0xffff, v12;
	_ =	sdelay $0x5  }
0x1a1: {  	s29 =	sand.u32 $0x7FFFFFFF, s21;
	v55, _, _ =	vpop (xrf0)  }
0x1a2: {  	s23 =	sshrl.u32 s29, $0x8;
	v13 =	vbroadcast v55, $0xF  }
0x1a3: {  	s24 =	sshll.u32 s23, $0x4  }
0x1a4: {  	v14 =	vld [tilespmem:s24+$0xA100];
	vm3 =	veq.f32 v12, v13  }
0x1a5: {  	s30 =	sshrl.u32 s29, $0x4;
	v12 =	vmctz.xlane vm3  }
0x1a6: {  	s25 =	sand.u32 $0xF, s30  }
0x1a7: {  	v15 =	vmov s25;
	v12 =	vxor.u32 $0x80000000, v12  }
0x1a8: {  	vm4 =	veq.s32 v11, s29;
	vm3 =	veq.s32 v15, v0;
	(xrf0) =	vmax.scan.msk.u32 $0xffff, v12  }
0x1a9: {  	v11 =	vsel vm4, $0xFFFFFFFF, v11;
	v56 =	vsel vm3, v13, v14  }
0x1aa: {  	v57 =	vxor.u32 $0x80000000, v11;
	(xrf0) =	vmax.scan.msk.f32 $0xffff, v56  }
0x1ab: {  	(xrf0) =	vmax.scan.msk.u32 $0xffff, v57;
	_ =	sdelay $0x2  }
0x1ac: {  	v58, _, _ =	vpop (xrf0)  }
0x1ad: {  	(v2sf) =	vpush v58, $0xF  }
0x1ae: {  	v59, _, _ =	vpop (xrf0)  }
0x1af: {  	v60, _, _ =	vpop (xrf0)  }
0x1b0: {  	(v2sf) =	vpush v60, $0xF;
	_ =	sdelay $0xb  }
0x1b1: {  	s31 =	spop (v2sf)  }
0x1b2: {  	v61 =	vmov s30;
	s21 =	sadd.s32 s31, s22  }
0x1b3: {  	v14 =	vadd.s32 $0x100, v61;
	s21 =	sadd.s32 $0x80000000, s21  }
0x1b4: {  	v62 =	vmov s23;
	v63 =	vmov s21;
	s21 =	spop (v2sf)  }
0x1b5: {  	v15 =	vadd.s32 $0x10, v62;
	p0 =	slt.s32 s21, $0x0  }
.Ltmp11:
0x1b6: {  	_ = 	snop;
	(pc) =	sbr.rel @p0 .LBB2_13-.Ltmp11, $4  }
0x1b7: {  	_ = 	snop  }
0x1b8: {  	[tilespmem:v14+s13+$0x0] =	vst.idx.msk $0x1, v13;
	v12 =	vbroadcast v59, $0xF  }
0x1b9: {  	[tilespmem:v14+s5+$0x0] =	vst.idx.msk $0x1, v63  }
0x1ba: {  	[tilespmem:v15+s14+$0x0] =	vst.idx.msk $0x1, v12  }
.LBB2_14:
0x1bb: {  	v11 =	vadd.s32 $0x200, v10;
	_ =	sdelay $0x4  }
0x1bc: {  	v11 =	vld.idx.msk [tilespmem:v11+s5+$0x0], vm2;
	_ =	sdelay $0x4  }
0x1bd: {  	vm3 =	veq.s32 v11, v9  }
0x1be: {  	vm3 =	vmand vm2, vm3  }
0x1bf: {  	v11 =	vnsel vm3, $0xFFFFFFFF, v9  }
0x1c0: {  	v12 =	vxor.u32 $0x80000000, v11  }
0x1c1: {  	(xrf0) =	vmax.scan.msk.u32 $0xffff, v12;
	_ =	sdelay $0x5  }
0x1c2: {  	v12, _, _ =	vpop (xrf0)  }
0x1c3: {  	(v2sf) =	vpush v12, $0xF;
	_ =	sdelay $0xe  }
0x1c4: {  	s21 =	spop (v2sf)  }
0x1c5: {  	p0 =	sgt.s32 s21, $0xFFFFFFFF  }
.Ltmp12:
0x1c6: {  	_ = 	snop;
	(pc) =	sbr.rel @p0 .LBB2_16-.Ltmp12, $1  }
0x1c7: {  	_ =	sdelay $0x3  }
.LBB2_15:
0x1c8: {  	s22 =	sand.u32 $0x7FFFFFF0, s21  }
0x1c9: {  	v12 =	vld [tilespmem:s22+$0x8000]  }
0x1ca: {  	v13 =	vld [tilespmem:s22+$0x2000];
	_ =	sdelay $0x3  }
0x1cb: {  	vm3 =	veq.s32 v12, $0x0  }
0x1cc: {  	v12 =	vnsel vm3, $0xFF800000, v13  }
0x1cd: {  	(xrf0) =	vmax.scan.msk.f32 $0xffff, v12;
	_ =	sdelay $0x5  }
0x1ce: {  	s29 =	sand.u32 $0x7FFFFFFF, s21;
	v55, _, _ =	vpop (xrf0)  }
0x1cf: {  	s23 =	sshrl.u32 s29, $0x8;
	v13 =	vbroadcast v55, $0xF  }
0x1d0: {  	s24 =	sshll.u32 s23, $0x4  }
0x1d1: {  	v14 =	vld [tilespmem:s24+$0xA200];
	vm3 =	veq.f32 v12, v13  }
0x1d2: {  	s30 =	sshrl.u32 s29, $0x4;
	v12 =	vmctz.xlane vm3  }
0x1d3: {  	s25 =	sand.u32 $0xF, s30  }
0x1d4: {  	v15 =	vmov s25;
	v12 =	vxor.u32 $0x80000000, v12  }
0x1d5: {  	vm4 =	veq.s32 v11, s29;
	vm3 =	veq.s32 v15, v0;
	(xrf0) =	vmax.scan.msk.u32 $0xffff, v12  }
0x1d6: {  	v11 =	vsel vm4, $0xFFFFFFFF, v11;
	v56 =	vsel vm3, v13, v14  }
0x1d7: {  	v57 =	vxor.u32 $0x80000000, v11;
	(xrf0) =	vmax.scan.msk.f32 $0xffff, v56  }
0x1d8: {  	(xrf0) =	vmax.scan.msk.u32 $0xffff, v57;
	_ =	sdelay $0x2  }
0x1d9: {  	v58, _, _ =	vpop (xrf0)  }
0x1da: {  	(v2sf) =	vpush v58, $0xF  }
0x1db: {  	v59, _, _ =	vpop (xrf0)  }
0x1dc: {  	v60, _, _ =	vpop (xrf0)  }
0x1dd: {  	(v2sf) =	vpush v60, $0xF;
	_ =	sdelay $0xb  }
0x1de: {  	s31 =	spop (v2sf)  }
0x1df: {  	v61 =	vmov s30;
	s21 =	sadd.s32 s31, s22  }
0x1e0: {  	v14 =	vadd.s32 $0x200, v61;
	s21 =	sadd.s32 $0x80000000, s21  }
0x1e1: {  	v62 =	vmov s23;
	v63 =	vmov s21;
	s21 =	spop (v2sf)  }
0x1e2: {  	v15 =	vadd.s32 $0x20, v62;
	p0 =	slt.s32 s21, $0x0  }
.Ltmp13:
0x1e3: {  	_ = 	snop;
	(pc) =	sbr.rel @p0 .LBB2_15-.Ltmp13, $4  }
0x1e4: {  	_ = 	snop  }
0x1e5: {  	[tilespmem:v14+s13+$0x0] =	vst.idx.msk $0x1, v13;
	v12 =	vbroadcast v59, $0xF  }
0x1e6: {  	[tilespmem:v14+s5+$0x0] =	vst.idx.msk $0x1, v63  }
0x1e7: {  	[tilespmem:v15+s14+$0x0] =	vst.idx.msk $0x1, v12  }
.LBB2_16:
0x1e8: {  	v10 =	vadd.s32 $0x300, v10;
	_ =	sdelay $0x4  }
0x1e9: {  	v10 =	vld.idx.msk [tilespmem:v10+s5+$0x0], vm2;
	_ =	sdelay $0x4  }
0x1ea: {  	vm3 =	veq.s32 v10, v9  }
0x1eb: {  	vm2 =	vmand vm2, vm3  }
0x1ec: {  	v9 =	vnsel vm2, $0xFFFFFFFF, v9  }
0x1ed: {  	v10 =	vxor.u32 $0x80000000, v9  }
0x1ee: {  	(xrf0) =	vmax.scan.msk.u32 $0xffff, v10;
	_ =	sdelay $0x5  }
0x1ef: {  	v10, _, _ =	vpop (xrf0)  }
0x1f0: {  	(v2sf) =	vpush v10, $0xF;
	_ =	sdelay $0xe  }
0x1f1: {  	s21 =	spop (v2sf)  }
0x1f2: {  	p0 =	sgt.s32 s21, $0xFFFFFFFF  }
.Ltmp14:
0x1f3: {  	_ = 	snop;
	(pc) =	sbr.rel @p0 .LBB2_18-.Ltmp14, $1  }
0x1f4: {  	_ =	sdelay $0x3  }
.LBB2_17:
0x1f5: {  	s22 =	sand.u32 $0x7FFFFFF0, s21  }
0x1f6: {  	v10 =	vld [tilespmem:s22+$0x8000]  }
0x1f7: {  	v11 =	vld [tilespmem:s22+$0x3000];
	_ =	sdelay $0x3  }
0x1f8: {  	vm2 =	veq.s32 v10, $0x0  }
0x1f9: {  	v10 =	vnsel vm2, $0xFF800000, v11  }
0x1fa: {  	(xrf0) =	vmax.scan.msk.f32 $0xffff, v10;
	_ =	sdelay $0x5  }
0x1fb: {  	s29 =	sand.u32 $0x7FFFFFFF, s21;
	v11, _, _ =	vpop (xrf0)  }
0x1fc: {  	s23 =	sshrl.u32 s29, $0x8;
	v11 =	vbroadcast v11, $0xF  }
0x1fd: {  	s24 =	sshll.u32 s23, $0x4  }
0x1fe: {  	v12 =	vld [tilespmem:s24+$0xA300];
	vm2 =	veq.f32 v10, v11  }
0x1ff: {  	s30 =	sshrl.u32 s29, $0x4;
	v10 =	vmctz.xlane vm2  }
0x200: {  	s25 =	sand.u32 $0xF, s30  }
0x201: {  	v13 =	vmov s25;
	v10 =	vxor.u32 $0x80000000, v10  }
0x202: {  	vm3 =	veq.s32 v9, s29;
	vm2 =	veq.s32 v13, v0;
	(xrf0) =	vmax.scan.msk.u32 $0xffff, v10  }
0x203: {  	v9 =	vsel vm3, $0xFFFFFFFF, v9;
	v10 =	vsel vm2, v11, v12  }
0x204: {  	(xrf0) =	vmax.scan.msk.f32 $0xffff, v10;
	v10 =	vxor.u32 $0x80000000, v9  }
0x205: {  	(xrf0) =	vmax.scan.msk.u32 $0xffff, v10;
	_ =	sdelay $0x2  }
0x206: {  	v10, _, _ =	vpop (xrf0)  }
0x207: {  	(v2sf) =	vpush v10, $0xF  }
0x208: {  	v10, _, _ =	vpop (xrf0)  }
0x209: {  	v61, _, _ =	vpop (xrf0)  }
0x20a: {  	(v2sf) =	vpush v61, $0xF;
	_ =	sdelay $0x8  }
0x20b: {  	v62 =	vmov s30  }
0x20c: {  	v12 =	vadd.s32 $0x300, v62;
	_ =	sdelay $0x1  }
0x20d: {  	s31 =	spop (v2sf)  }
0x20e: {  	s21 =	sadd.s32 s31, s22  }
0x20f: {  	s21 =	sadd.s32 $0x80000000, s21  }
0x210: {  	v63 =	vmov s23;
	[tilespmem:v12+s13+$0x0] =	vst.idx.msk $0x1, v11;
	v11 =	vmov s21;
	s21 =	spop (v2sf)  }
0x211: {  	v13 =	vadd.s32 $0x30, v63;
	p0 =	slt.s32 s21, $0x0  }
.Ltmp15:
0x212: {  	_ = 	snop;
	(pc) =	sbr.rel @p0 .LBB2_17-.Ltmp15, $4  }
0x213: {  	_ = 	snop  }
0x214: {  	v10 =	vbroadcast v10, $0xF  }
0x215: {  	[tilespmem:v12+s5+$0x0] =	vst.idx.msk $0x1, v11  }
0x216: {  	[tilespmem:v13+s14+$0x0] =	vst.idx.msk $0x1, v10  }
.Ltmp16:
0x217: {  	_ = 	snop;
	(pc) =	sbr.rel .LBB2_18-.Ltmp16, $1  }
0x218: {  	_ =	sdelay $0x3  }
.LBB2_20:
0x219: {  	s2 =	sadd.s32 s4, s3  }
0x21a: {  	s29 =	simm.s32 $0x0;
	s30 =	simm.s32 $0x4000;
	s31 =	simm.s32 $0x1  }
0x21b: {  	[hbm4b:s2+s29] =	stream.linear.scatter [tilespmem:s30], [sflag:$0x1], $0x4000, $0x38;
	[tilespmem:$0xA970] =	vst v63  }
0x21c: {  	_ =	swait.ge [sflag:s31], $0x4000  }
0x21d: {  	[sflag:s31] =	ssyncset.done $0x0  }
0x21e: {  	[sflag:s31] =	ssyncadd.s32 $0xFFFFC000  }
0x21f: {  	_ =	sfence.sel $0x180000  }
0x220: {  	[bflag:$0x0] =	sbarrier.arrive $0xFFFF  }
0x221: {  	p0 =	sne.s32 s1, $0x0;
	_ =	strace $0x90000047  }
0x222: {  	s0 =	sadd.s32 @!p0 $0x100000, s0;
	[bflag:$0x2] =	sbarrier.arrive $0xFFFF  }
0x223: {  	[sflag:s0] =	ssyncadd.tile.s32 @!p0 $0x1;
	_ =	shalt  }
.Lfunc_end2:
_tile_overlayer_lowered:
.L_overlay_start_2:
0x224: {  	(tag) =	ssettag $0x2  }
0x225: {  	s0 =	rddreg [dreg:$0x0];
	s2 =	stileid.u32  }
0x226: {  	s1 =	rddreg [dreg:$0x1];
	p0 =	sne.s32 s2, $0x0  }
0x227: {  	s3 =	rddreg [dreg:$0x2];
	[bflag:$0x3] =	sbarrier.arrive $0xFFFF;
	s2 =	simm.s32 @!p0 $0x1C01  }
0x228: {  	[timem:s3], [sflag:s2] =	dma.local @!p0 [hbm:s0], s1  }
0x229: {  	s0 =	simm.s32 @!p0 $0x1  }
0x22a: {  	_ =	swait.ge @!p0 [sflag:s0], s1  }
0x22b: {  	s1 =	ssub.s32 @!p0 $0x0, s1;
	[sflag:s0] =	ssyncset.done @!p0 $0x0  }
0x22c: {  	[sflag:s0] =	ssyncadd.s32 @!p0 s1  }
0x22d: {  	[bflag:$0x3] =	sbarrier.arrive $0xFFFF  }
0x22e: {  	_ =	shalt  }

</sc_bundles>
